<compile_context>
chip_gen: v7x
topology: tpu7x:2x2x1
jax: 0.10.2.dev20260603
libtpu: 0.0.44.dev20260713+nightly
codegen_flags: <defaults>
</compile_context>

<pallas_src>
import functools
import numpy as np
import jax
import jax.numpy as jnp
from jax.experimental import pallas as pl
from jax.experimental.pallas import tpu as pltpu

NEG = -1e30
THRESH = np.arange(1, 0, -0.05).astype(np.float32)
NT = THRESH.shape[0]
CPAD = 1024


def _tc_body(plab_ref, plabT_ref, labs_ref, poss_ref, f_ref, fs_ref, out_ref,
             m_acc, onehot, accum, *, rows, n, nkc, kc_size, g_tiles):
    g = pl.program_id(0)
    kc = pl.program_id(1)

    @pl.when(g == 0)
    def _():
        pcol = plabT_ref[0]
        lanec = jax.lax.broadcasted_iota(jnp.int32, (1, CPAD), 1)
        onehot[pl.ds(kc * kc_size, kc_size), :] = (pcol == lanec).astype(jnp.bfloat16)

    prod = jax.lax.dot_general(
        f_ref[...], fs_ref[...],
        (((1,), (1,)), ((), ())),
        preferred_element_type=jnp.float32,
        precision=jax.lax.Precision.HIGHEST)
    m_acc[:, pl.ds(kc * kc_size, kc_size)] = prod

    @pl.when(kc == nkc - 1)
    def _():
        m = m_acc[...]
        plab = plab_ref[0:1, :]
        labrow = labs_ref[0]
        posrow = poss_ref[0]

        ri = jax.lax.broadcasted_iota(jnp.int32, (rows, rows), 0)
        ci = jax.lax.broadcasted_iota(jnp.int32, (rows, rows), 1)
        eye = ri == ci
        labcol = jnp.sum(jnp.where(eye, jnp.broadcast_to(labrow, (rows, rows)), 0),
                         axis=1, keepdims=True)
        poscol = jnp.sum(jnp.where(eye, jnp.broadcast_to(posrow, (rows, rows)), 0),
                         axis=1, keepdims=True)

        lane = jax.lax.broadcasted_iota(jnp.int32, (1, n), 1)
        m = jnp.where(lane == poscol, -1000.0, m)

        sL = jnp.max(jnp.where(plab == labcol, m, NEG), axis=1, keepdims=True)
        s0 = jnp.max(jnp.where(plab == 0, m, NEG), axis=1, keepdims=True)

        ind = (m > sL).astype(jnp.bfloat16)
        cnt = jax.lax.dot_general(
            ind, onehot[...],
            (((1,), (0,)), ((), ())),
            preferred_element_type=jnp.float32)
        q = jnp.sum((cnt >= 0.5).astype(jnp.int32), axis=1, keepdims=True)

        s0lt = s0 < sL
        lane128 = jax.lax.broadcasted_iota(jnp.int32, (1, 128), 1)
        accvec = jnp.zeros((1, 128), jnp.float32)
        for t_idx in range(NT):
            t = THRESH[t_idx]
            extra = ((sL < t) & s0lt).astype(jnp.int32)
            rank = q + extra
            apk = jnp.where((labcol == 0) | (rank >= 5),
                            0.0, 1.0 / (rank.astype(jnp.float32) + 1.0))
            accvec += jnp.where(lane128 == t_idx, jnp.sum(apk), 0.0)

        accum[...] = jnp.where(g == 0, accvec, accum[...] + accvec)

        @pl.when(g == g_tiles - 1)
        def _():
            masked = jnp.where(lane128 < NT, accum[...] / n, NEG)
            out_ref[...] = jnp.full((8, 128), jnp.max(masked), jnp.float32)


def _map_pallas(plab, plabT3, labs3, poss3, f, fs):
    n, d = f.shape
    rows = 128 if n % 128 == 0 else n
    g_tiles = n // rows
    kc_size = 512 if n % 512 == 0 else n
    nkc = n // kc_size

    body = functools.partial(_tc_body, rows=rows, n=n, nkc=nkc,
                             kc_size=kc_size, g_tiles=g_tiles)
    return pl.pallas_call(
        body,
        grid=(g_tiles, nkc),
        in_specs=[
            pl.BlockSpec((1, n), lambda g, kc: (0, 0)),
            pl.BlockSpec((1, kc_size, 1), lambda g, kc: (kc, 0, 0)),
            pl.BlockSpec((1, 1, rows), lambda g, kc: (g, 0, 0)),
            pl.BlockSpec((1, 1, rows), lambda g, kc: (g, 0, 0)),
            pl.BlockSpec((rows, d), lambda g, kc: (g, 0)),
            pl.BlockSpec((kc_size, d), lambda g, kc: (kc, 0)),
        ],
        out_specs=pl.BlockSpec((8, 128), lambda g, kc: (0, 0)),
        out_shape=jax.ShapeDtypeStruct((8, 128), jnp.float32),
        scratch_shapes=[
            pltpu.VMEM((rows, n), jnp.float32),
            pltpu.VMEM((n, CPAD), jnp.bfloat16),
            pltpu.VMEM((1, 128), jnp.float32),
        ],
        compiler_params=pltpu.CompilerParams(
            dimension_semantics=("arbitrary", "arbitrary")),
    )(plab, plabT3, labs3, poss3, f, fs)


def kernel(labels, features):
    n, d = features.shape
    rows = 128 if n % 128 == 0 else n
    g_tiles = n // rows
    kc_size = 512 if n % 512 == 0 else n
    nkc = n // kc_size

    perm = jnp.argsort(labels)
    plab_s = labels[perm]
    plab = plab_s.reshape(1, n)
    plabT3 = plab_s.reshape(nkc, kc_size, 1)
    fs = features[perm]
    pos = jnp.zeros((n,), jnp.int32).at[perm].set(jnp.arange(n, dtype=jnp.int32))

    labs3 = labels.reshape(g_tiles, 1, rows)
    poss3 = pos.reshape(g_tiles, 1, rows)

    out = _map_pallas(plab, plabT3, labs3, poss3, features, fs)
    return out[0, 0]

# --- scband reference (transcript-rebuilt; emitter-appended) ---
"""Pipeline reference for scband-map-59734405152827 (READ-ONLY COPY).

The authoritative reference and input builder live on the scoring server;
editing this copy changes nothing except your own understanding.
"""

import jax, jax.numpy as jnp
import numpy as np

N = 4096
D = 1024
NUM_CLASSES = 1000
INF = 1 << 30

def setup_inputs(seed: int = 0):
    key = jax.random.key(seed)
    k1, k2 = jax.random.split(key)
    labels = jax.random.randint(k1, (N,), 0, NUM_CLASSES, dtype=jnp.int32)
    features = jax.random.normal(k2, (N, D), dtype=jnp.float32)
    return {"labels": labels, "features": features}

def _map_score(labels, features):
    n = features.shape[0]
    m = features @ features.T
    di = jnp.arange(n)
    m = m.at[di, di].set(-1000.0)
    # descending sort of similarities per row (matches np.argsort(...)[:, ::-1])
    order = jnp.argsort(m, axis=-1)[:, ::-1]
    sorted_scores = jnp.take_along_axis(m, order, axis=-1)
    sorted_labels = labels[order]
    positions = jnp.arange(n, dtype=jnp.int32)

    # first occurrence position of each label within each row's ranking (scatter-min)
    def first_occ(slab):
        return jnp.full((NUM_CLASSES,), INF, dtype=jnp.int32).at[slab].min(positions)

    fp = jax.vmap(first_occ)(sorted_labels)  # [n, C]
    # mask of retained (first-occurrence, i.e. deduped) entries in get_top5's loop
    mask = jnp.take_along_axis(fp, sorted_labels, axis=1) == positions[None, :]
    csum = jnp.cumsum(mask.astype(jnp.int32), axis=1)  # retained count in prefix
    rr = csum - 1                                      # retained rank at each sorted position

    # retained rank q of the true label's first occurrence
    j_true = jnp.take_along_axis(fp, labels[:, None], axis=1)[:, 0]
    q = jnp.take_along_axis(rr, j_true[:, None], axis=1)[:, 0]

    # retained rank z of label 0's first occurrence (INF if label 0 absent)
    j_zero = fp[:, 0]
    zr = jnp.where(j_zero < INF,
                   jnp.take_along_axis(rr, jnp.clip(j_zero, 0, n - 1)[:, None], axis=1)[:, 0],
                   INF)

    thresholds = jnp.asarray(np.arange(1, 0, -0.05), dtype=sorted_scores.dtype)  # [20]
    # c[i,t] = number of retained entries with score >= threshold t
    rev = sorted_scores[:, ::-1]  # ascending
    p_left = jax.vmap(lambda r: jnp.searchsorted(r, thresholds, side='left'))(rev)
    p = n - p_left  # count of sorted scores >= threshold
    c = jnp.where(p > 0,
                  jnp.take_along_axis(csum, jnp.clip(p - 1, 0, n - 1), axis=1),
                  0)  # [n, 20]

    # get_top5 inserts sentinel label 0 at retained position c (if 0 not seen before, zb >= c);
    # the real 0 entry at zb is then skipped. Rank shift for the true label (L != 0):
    qb = q[:, None]
    zb = zr[:, None]
    extra = ((zb >= c) & (qb >= c) & (qb < zb)).astype(jnp.int32)
    rank = qb + extra
    # apk: for scalar label L, returns 1/(rank+1) if L in top-5 preds; `if not labels` makes
    # L == 0 rows score 0.0 immediately.
    apk = jnp.where((labels[:, None] == 0) | (rank >= 5),
                    0.0,
                    1.0 / (rank.astype(jnp.float32) + 1.0))
    map_per_th = jnp.mean(apk, axis=0)
    # stable sort desc over thresholds -> argmax picks first (highest-threshold) max
    return map_per_th[jnp.argmax(map_per_th)]

def reference(labels, features):
    return _map_score(labels, features)

if __name__ == "__main__":
    import jax
    _d = setup_inputs()
    print(jax.jit(kernel)(*tuple(_d.values())))

</pallas_src>

<mosaic_0001>
module attributes {stable_mosaic.version = 14 : i64} {
  func.func @_tc_body(%arg0: i32, %arg1: i32, %arg2: memref<1x4096xi32, #tpu.memory_space<vmem>>, %arg3: memref<1x512x1xi32, #tpu.memory_space<vmem>>, %arg4: memref<1x1x128xi32, #tpu.memory_space<vmem>>, %arg5: memref<1x1x128xi32, #tpu.memory_space<vmem>>, %arg6: memref<128x1024xf32, #tpu.memory_space<vmem>>, %arg7: memref<512x1024xf32, #tpu.memory_space<vmem>>, %arg8: memref<8x128xf32, #tpu.memory_space<vmem>>, %arg9: memref<128x4096xf32, #tpu.memory_space<vmem>>, %arg10: memref<4096x1024xbf16, #tpu.memory_space<vmem>>, %arg11: memref<1x128xf32, #tpu.memory_space<vmem>>) attributes {dimension_semantics = [#tpu.dimension_semantics<arbitrary>, #tpu.dimension_semantics<arbitrary>], iteration_bounds = array<i64: 32, 8>, scalar_prefetch = 0 : i64, scratch_operands = 3 : i64, tpu.core_type = #tpu.core_type<tc>, window_params = [{pipeline_mode = #tpu.pipeline_mode<synchronous>, transform_indices = @transform_0, window_bounds = array<i64: 1, 4096>}, {transform_indices = @transform_1, window_bounds = array<i64: 1, 512, 1>}, {transform_indices = @transform_2, window_bounds = array<i64: 1, 1, 128>}, {transform_indices = @transform_3, window_bounds = array<i64: 1, 1, 128>}, {transform_indices = @transform_4, window_bounds = array<i64: 128, 1024>}, {transform_indices = @transform_5, window_bounds = array<i64: 512, 1024>}, {pipeline_mode = #tpu.pipeline_mode<synchronous>, transform_indices = @transform_6, window_bounds = array<i64: 8, 128>}]} {
    %eq3A = arith.constant 0 : i32
    %eq3A_0 = arith.cmpi eq, %arg0, %eq3A : i32
    %convert_element_type3A = arith.extui %eq3A_0 : i1 to i32
    %cond3A = arith.constant 0 : i32
    %cond3A_1 = arith.cmpi ne, %convert_element_type3A, %cond3A : i32
    scf.if %cond3A_1 {
      %get3A_16 = arith.constant 0 : index
      %get3A_17 = arith.constant 0 : index
      %get3A_18 = arith.constant 0 : index
      %get3A_19 = vector.load %arg3[%get3A_16, %get3A_17, %get3A_18] : memref<1x512x1xi32, #tpu.memory_space<vmem>>, vector<1x512x1xi32>
      %get3A_20 = vector.shape_cast %get3A_19 : vector<1x512x1xi32> to vector<512x1xi32>
      %iota3A = tpu.iota {dimensions = array<i32: 1>} : vector<1x1024xi32>
      %eq3A_21 = vector.broadcast %get3A_20 : vector<512x1xi32> to vector<512x1024xi32>
      %eq3A_22 = vector.broadcast %iota3A : vector<1x1024xi32> to vector<512x1024xi32>
      %eq3A_23 = arith.cmpi eq, %eq3A_21, %eq3A_22 : vector<512x1024xi32>
      %convert_element_type3A_24 = arith.extui %eq3A_23 : vector<512x1024xi1> to vector<512x1024xi32>
      %convert_element_type3A_25 = arith.sitofp %convert_element_type3A_24 : vector<512x1024xi32> to vector<512x1024xf32>
      %convert_element_type3A_26 = arith.truncf %convert_element_type3A_25 : vector<512x1024xf32> to vector<512x1024xbf16>
      %mul3A_27 = arith.constant 512 : i32
      %mul3A_28 = arith.muli %arg1, %mul3A_27 : i32
      %swap3A_29 = arith.index_cast %mul3A_28 : i32 to index
      %swap3A_30 = arith.constant 0 : index
      %swap3A_31 = vector.load %arg10[%swap3A_29, %swap3A_30] : memref<4096x1024xbf16, #tpu.memory_space<vmem>>, vector<512x1024xbf16>
      tpu.vector_store %arg10[%swap3A_29, %swap3A_30], %convert_element_type3A_26 {strides = array<i32>} : memref<4096x1024xbf16, #tpu.memory_space<vmem>>, vector<512x1024xbf16>,
    } else {
    }
    %get3A = arith.constant 0 : index
    %get3A_2 = arith.constant 0 : index
    %get3A_3 = vector.load %arg6[%get3A, %get3A_2] : memref<128x1024xf32, #tpu.memory_space<vmem>>, vector<128x1024xf32>
    %get3A_4 = arith.constant 0 : index
    %get3A_5 = arith.constant 0 : index
    %get3A_6 = vector.load %arg7[%get3A_4, %get3A_5] : memref<512x1024xf32, #tpu.memory_space<vmem>>, vector<512x1024xf32>
    %dot_general3A = arith.constant dense<0.000000e+00> : vector<128x512xf32>
    %dot_general3A_7 = tpu.matmul %get3A_3, %get3A_6, %dot_general3A {dimension_numbers = #tpu.dot_dimension_numbers<[1], [1], [0], [0], [0, 0, 1, 0], [], []>, precision = #tpu.contract_precision<fp32>, transpose_lhs_hint = false} : vector<128x1024xf32>, vector<512x1024xf32>, vector<128x512xf32> -> vector<128x512xf32>
    %mul3A = arith.constant 512 : i32
    %mul3A_8 = arith.muli %arg1, %mul3A : i32
    %swap3A = arith.constant 0 : index
    %swap3A_9 = arith.index_cast %mul3A_8 : i32 to index
    %swap3A_10 = vector.load %arg9[%swap3A, %swap3A_9] : memref<128x4096xf32, #tpu.memory_space<vmem>>, vector<128x512xf32>
    tpu.vector_store %arg9[%swap3A, %swap3A_9], %dot_general3A_7 {strides = array<i32>} : memref<128x4096xf32, #tpu.memory_space<vmem>>, vector<128x512xf32>,
    %eq3A_11 = arith.constant 7 : i32
    %eq3A_12 = arith.cmpi eq, %arg1, %eq3A_11 : i32
    %convert_element_type3A_13 = arith.extui %eq3A_12 : i1 to i32
    %cond3A_14 = arith.constant 0 : i32
    %cond3A_15 = arith.cmpi ne, %convert_element_type3A_13, %cond3A_14 : i32
    scf.if %cond3A_15 {
      %get3A_16 = arith.constant 0 : index
      %get3A_17 = arith.constant 0 : index
      %get3A_18 = vector.load %arg9[%get3A_16, %get3A_17] : memref<128x4096xf32, #tpu.memory_space<vmem>>, vector<128x4096xf32>
      %get3A_19 = arith.constant 0 : index
      %get3A_20 = arith.constant 0 : index
      %get3A_21 = vector.load %arg2[%get3A_19, %get3A_20] : memref<1x4096xi32, #tpu.memory_space<vmem>>, vector<1x4096xi32>
      %get3A_22 = arith.constant 0 : index
      %get3A_23 = arith.constant 0 : index
      %get3A_24 = arith.constant 0 : index
      %get3A_25 = vector.load %arg4[%get3A_22, %get3A_23, %get3A_24] : memref<1x1x128xi32, #tpu.memory_space<vmem>>, vector<1x1x128xi32>
      %get3A_26 = vector.shape_cast %get3A_25 : vector<1x1x128xi32> to vector<1x128xi32>
      %get3A_27 = arith.constant 0 : index
      %get3A_28 = arith.constant 0 : index
      %get3A_29 = arith.constant 0 : index
      %get3A_30 = vector.load %arg5[%get3A_27, %get3A_28, %get3A_29] : memref<1x1x128xi32, #tpu.memory_space<vmem>>, vector<1x1x128xi32>
      %get3A_31 = vector.shape_cast %get3A_30 : vector<1x1x128xi32> to vector<1x128xi32>
      %iota3A = tpu.iota {dimensions = array<i32: 0>} : vector<128x128xi32>
      %iota3A_32 = tpu.iota {dimensions = array<i32: 1>} : vector<128x128xi32>
      %eq3A_33 = arith.cmpi eq, %iota3A, %iota3A_32 : vector<128x128xi32>
      %broadcast_in_dim3A = vector.shape_cast %get3A_26 : vector<1x128xi32> to vector<1x128xi32>
      %broadcast_in_dim3A_34 = vector.broadcast %broadcast_in_dim3A : vector<1x128xi32> to vector<128x128xi32>
      %jit3A = arith.constant 0 : i32
      %broadcast_in_dim3A_35 = vector.broadcast %jit3A : i32 to vector<128x128xi32>
      %select_n3A = arith.select %eq3A_33, %broadcast_in_dim3A_34, %broadcast_in_dim3A_35 : vector<128x128xi1>, vector<128x128xi32>
      %reduce_sum3A = arith.constant dense<0> : vector<128xi32>
      %reduce_sum3A_36 = vector.multi_reduction <add>, %select_n3A, %reduce_sum3A [1] : vector<128x128xi32> to vector<128xi32>
      %broadcast_in_dim3A_37 = vector.shape_cast %reduce_sum3A_36 : vector<128xi32> to vector<128x1xi32>
      %broadcast_in_dim3A_38 = vector.shape_cast %get3A_31 : vector<1x128xi32> to vector<1x128xi32>
      %broadcast_in_dim3A_39 = vector.broadcast %broadcast_in_dim3A_38 : vector<1x128xi32> to vector<128x128xi32>
      %jit3A_40 = arith.constant 0 : i32
      %broadcast_in_dim3A_41 = vector.broadcast %jit3A_40 : i32 to vector<128x128xi32>
      %select_n3A_42 = arith.select %eq3A_33, %broadcast_in_dim3A_39, %broadcast_in_dim3A_41 : vector<128x128xi1>, vector<128x128xi32>
      %reduce_sum3A_43 = arith.constant dense<0> : vector<128xi32>
      %reduce_sum3A_44 = vector.multi_reduction <add>, %select_n3A_42, %reduce_sum3A_43 [1] : vector<128x128xi32> to vector<128xi32>
      %broadcast_in_dim3A_45 = vector.shape_cast %reduce_sum3A_44 : vector<128xi32> to vector<128x1xi32>
      %iota3A_46 = tpu.iota {dimensions = array<i32: 1>} : vector<1x4096xi32>
      %eq3A_47 = vector.broadcast %iota3A_46 : vector<1x4096xi32> to vector<128x4096xi32>
      %eq3A_48 = vector.broadcast %broadcast_in_dim3A_45 : vector<128x1xi32> to vector<128x4096xi32>
      %eq3A_49 = arith.cmpi eq, %eq3A_47, %eq3A_48 : vector<128x4096xi32>
      %jit3A_50 = arith.constant -1.000000e+03 : f32
      %broadcast_in_dim3A_51 = vector.broadcast %jit3A_50 : f32 to vector<128x4096xf32>
      %select_n3A_52 = arith.select %eq3A_49, %broadcast_in_dim3A_51, %get3A_18 : vector<128x4096xi1>, vector<128x4096xf32>
      %eq3A_53 = vector.broadcast %get3A_21 : vector<1x4096xi32> to vector<128x4096xi32>
      %eq3A_54 = vector.broadcast %broadcast_in_dim3A_37 : vector<128x1xi32> to vector<128x4096xi32>
      %eq3A_55 = arith.cmpi eq, %eq3A_53, %eq3A_54 : vector<128x4096xi32>
      %jit3A_56 = arith.constant -1.000000e+30 : f32
      %broadcast_in_dim3A_57 = vector.broadcast %jit3A_56 : f32 to vector<128x4096xf32>
      %select_n3A_58 = arith.select %eq3A_55, %select_n3A_52, %broadcast_in_dim3A_57 : vector<128x4096xi1>, vector<128x4096xf32>
      %reduce_max3A = arith.constant dense<0xFF800000> : vector<128xf32>
      %reduce_max3A_59 = vector.multi_reduction <maximumf>, %select_n3A_58, %reduce_max3A [1] : vector<128x4096xf32> to vector<128xf32>
      %broadcast_in_dim3A_60 = vector.shape_cast %reduce_max3A_59 : vector<128xf32> to vector<128x1xf32>
      %eq3A_61 = arith.constant 0 : i32
      %eq3A_62 = vector.broadcast %eq3A_61 : i32 to vector<1x4096xi32>
      %eq3A_63 = arith.cmpi eq, %get3A_21, %eq3A_62 : vector<1x4096xi32>
      %jit3A_64 = arith.constant -1.000000e+30 : f32
      %broadcast_in_dim3A_65 = vector.shape_cast %eq3A_63 : vector<1x4096xi1> to vector<1x4096xi1>
      %broadcast_in_dim3A_66 = vector.broadcast %broadcast_in_dim3A_65 : vector<1x4096xi1> to vector<128x4096xi1>
      %broadcast_in_dim3A_67 = vector.broadcast %jit3A_64 : f32 to vector<128x4096xf32>
      %select_n3A_68 = arith.select %broadcast_in_dim3A_66, %select_n3A_52, %broadcast_in_dim3A_67 : vector<128x4096xi1>, vector<128x4096xf32>
      %reduce_max3A_69 = arith.constant dense<0xFF800000> : vector<128xf32>
      %reduce_max3A_70 = vector.multi_reduction <maximumf>, %select_n3A_68, %reduce_max3A_69 [1] : vector<128x4096xf32> to vector<128xf32>
      %broadcast_in_dim3A_71 = vector.shape_cast %reduce_max3A_70 : vector<128xf32> to vector<128x1xf32>
      %gt3A = vector.broadcast %broadcast_in_dim3A_60 : vector<128x1xf32> to vector<128x4096xf32>
      %gt3A_72 = arith.cmpf ogt, %select_n3A_52, %gt3A : vector<128x4096xf32>
      %convert_element_type3A_73 = arith.extui %gt3A_72 : vector<128x4096xi1> to vector<128x4096xi32>
      %convert_element_type3A_74 = arith.sitofp %convert_element_type3A_73 : vector<128x4096xi32> to vector<128x4096xf32>
      %convert_element_type3A_75 = arith.truncf %convert_element_type3A_74 : vector<128x4096xf32> to vector<128x4096xbf16>
      %get3A_76 = arith.constant 0 : index
      %get3A_77 = arith.constant 0 : index
      %get3A_78 = vector.load %arg10[%get3A_76, %get3A_77] : memref<4096x1024xbf16, #tpu.memory_space<vmem>>, vector<4096x1024xbf16>
      %dot_general3A_79 = arith.constant dense<0.000000e+00> : vector<128x1024xf32>
      %dot_general3A_80 = tpu.matmul %convert_element_type3A_75, %get3A_78, %dot_general3A_79 {dimension_numbers = #tpu.dot_dimension_numbers<[1], [0], [0], [1], [0, 0, 1, 1], [], []>, transpose_lhs_hint = false} : vector<128x4096xbf16>, vector<4096x1024xbf16>, vector<128x1024xf32> -> vector<128x1024xf32>
      %ge3A = arith.constant 5.000000e-01 : f32
      %ge3A_81 = vector.broadcast %ge3A : f32 to vector<128x1024xf32>
      %ge3A_82 = arith.cmpf oge, %dot_general3A_80, %ge3A_81 : vector<128x1024xf32>
      %convert_element_type3A_83 = arith.extui %ge3A_82 : vector<128x1024xi1> to vector<128x1024xi32>
      %reduce_sum3A_84 = arith.constant dense<0> : vector<128xi32>
      %reduce_sum3A_85 = vector.multi_reduction <add>, %convert_element_type3A_83, %reduce_sum3A_84 [1] : vector<128x1024xi32> to vector<128xi32>
      %broadcast_in_dim3A_86 = vector.shape_cast %reduce_sum3A_85 : vector<128xi32> to vector<128x1xi32>
      %lt3A = arith.cmpf olt, %broadcast_in_dim3A_71, %broadcast_in_dim3A_60 : vector<128x1xf32>
      %iota3A_87 = tpu.iota {dimensions = array<i32: 1>} : vector<1x128xi32>
      %broadcast_in_dim3A_88 = arith.constant 0.000000e+00 : f32
      %broadcast_in_dim3A_89 = vector.broadcast %broadcast_in_dim3A_88 : f32 to vector<1x128xf32>
      %lt3A_90 = arith.constant 1.000000e+00 : f32
      %lt3A_91 = vector.broadcast %lt3A_90 : f32 to vector<128x1xf32>
      %lt3A_92 = arith.cmpf olt, %broadcast_in_dim3A_60, %lt3A_91 : vector<128x1xf32>
      %and3A = arith.andi %lt3A_92, %lt3A : vector<128x1xi1>
      %convert_element_type3A_93 = arith.extui %and3A : vector<128x1xi1> to vector<128x1xi32>
      %add3A = arith.addi %broadcast_in_dim3A_86, %convert_element_type3A_93 : vector<128x1xi32>
      %eq3A_94 = arith.constant 0 : i32
      %eq3A_95 = vector.broadcast %eq3A_94 : i32 to vector<128x1xi32>
      %eq3A_96 = arith.cmpi eq, %broadcast_in_dim3A_37, %eq3A_95 : vector<128x1xi32>
      %ge3A_97 = arith.constant 5 : i32
      %ge3A_98 = vector.broadcast %ge3A_97 : i32 to vector<128x1xi32>
      %ge3A_99 = arith.cmpi sge, %add3A, %ge3A_98 : vector<128x1xi32>
      %or3A = arith.ori %eq3A_96, %ge3A_99 : vector<128x1xi1>
      %convert_element_type3A_100 = arith.sitofp %add3A : vector<128x1xi32> to vector<128x1xf32>
      %add3A_101 = arith.constant 1.000000e+00 : f32
      %add3A_102 = vector.broadcast %add3A_101 : f32 to vector<128x1xf32>
      %add3A_103 = arith.addf %convert_element_type3A_100, %add3A_102 : vector<128x1xf32>
      %div3A = arith.constant 1.000000e+00 : f32
      %div3A_104 = vector.broadcast %div3A : f32 to vector<128x1xf32>
      %div3A_105 = arith.divf %div3A_104, %add3A_103 : vector<128x1xf32>
      %jit3A_106 = arith.constant 0.000000e+00 : f32
      %broadcast_in_dim3A_107 = vector.broadcast %jit3A_106 : f32 to vector<128x1xf32>
      %select_n3A_108 = arith.select %or3A, %broadcast_in_dim3A_107, %div3A_105 : vector<128x1xi1>, vector<128x1xf32>
      %eq3A_109 = arith.constant 0 : i32
      %eq3A_110 = vector.broadcast %eq3A_109 : i32 to vector<1x128xi32>
      %eq3A_111 = arith.cmpi eq, %iota3A_87, %eq3A_110 : vector<1x128xi32>
      %reduce_sum3A_112 = vector.shape_cast %select_n3A_108 : vector<128x1xf32> to vector<1x128x1xf32>
      %reduce_sum3A_113 = arith.constant dense<0.000000e+00> : vector<1xf32>
      %reduce_sum3A_114 = vector.multi_reduction <add>, %reduce_sum3A_112, %reduce_sum3A_113 [1, 2] : vector<1x128x1xf32> to vector<1xf32>
      %reduce_sum3A_115 = vector.shape_cast %reduce_sum3A_114 : vector<1xf32> to vector<1x1x1xf32>
      %reduce_sum3A_116 = vector.extract %reduce_sum3A_115[0, 0, 0] : f32 from vector<1x1x1xf32>
      %jit3A_117 = arith.constant 0.000000e+00 : f32
      %broadcast_in_dim3A_118 = vector.broadcast %reduce_sum3A_116 : f32 to vector<1x128xf32>
      %broadcast_in_dim3A_119 = vector.broadcast %jit3A_117 : f32 to vector<1x128xf32>
      %select_n3A_120 = arith.select %eq3A_111, %broadcast_in_dim3A_118, %broadcast_in_dim3A_119 : vector<1x128xi1>, vector<1x128xf32>
      %add3A_121 = arith.addf %broadcast_in_dim3A_89, %select_n3A_120 : vector<1x128xf32>
      %lt3A_122 = arith.constant 0.949999988 : f32
      %lt3A_123 = vector.broadcast %lt3A_122 : f32 to vector<128x1xf32>
      %lt3A_124 = arith.cmpf olt, %broadcast_in_dim3A_60, %lt3A_123 : vector<128x1xf32>
      %and3A_125 = arith.andi %lt3A_124, %lt3A : vector<128x1xi1>
      %convert_element_type3A_126 = arith.extui %and3A_125 : vector<128x1xi1> to vector<128x1xi32>
      %add3A_127 = arith.addi %broadcast_in_dim3A_86, %convert_element_type3A_126 : vector<128x1xi32>
      %eq3A_128 = arith.constant 0 : i32
      %eq3A_129 = vector.broadcast %eq3A_128 : i32 to vector<128x1xi32>
      %eq3A_130 = arith.cmpi eq, %broadcast_in_dim3A_37, %eq3A_129 : vector<128x1xi32>
      %ge3A_131 = arith.constant 5 : i32
      %ge3A_132 = vector.broadcast %ge3A_131 : i32 to vector<128x1xi32>
      %ge3A_133 = arith.cmpi sge, %add3A_127, %ge3A_132 : vector<128x1xi32>
      %or3A_134 = arith.ori %eq3A_130, %ge3A_133 : vector<128x1xi1>
      %convert_element_type3A_135 = arith.sitofp %add3A_127 : vector<128x1xi32> to vector<128x1xf32>
      %add3A_136 = arith.constant 1.000000e+00 : f32
      %add3A_137 = vector.broadcast %add3A_136 : f32 to vector<128x1xf32>
      %add3A_138 = arith.addf %convert_element_type3A_135, %add3A_137 : vector<128x1xf32>
      %div3A_139 = arith.constant 1.000000e+00 : f32
      %div3A_140 = vector.broadcast %div3A_139 : f32 to vector<128x1xf32>
      %div3A_141 = arith.divf %div3A_140, %add3A_138 : vector<128x1xf32>
      %jit3A_142 = arith.constant 0.000000e+00 : f32
      %broadcast_in_dim3A_143 = vector.broadcast %jit3A_142 : f32 to vector<128x1xf32>
      %select_n3A_144 = arith.select %or3A_134, %broadcast_in_dim3A_143, %div3A_141 : vector<128x1xi1>, vector<128x1xf32>
      %eq3A_145 = arith.constant 1 : i32
      %eq3A_146 = vector.broadcast %eq3A_145 : i32 to vector<1x128xi32>
      %eq3A_147 = arith.cmpi eq, %iota3A_87, %eq3A_146 : vector<1x128xi32>
      %reduce_sum3A_148 = vector.shape_cast %select_n3A_144 : vector<128x1xf32> to vector<1x128x1xf32>
      %reduce_sum3A_149 = arith.constant dense<0.000000e+00> : vector<1xf32>
      %reduce_sum3A_150 = vector.multi_reduction <add>, %reduce_sum3A_148, %reduce_sum3A_149 [1, 2] : vector<1x128x1xf32> to vector<1xf32>
      %reduce_sum3A_151 = vector.shape_cast %reduce_sum3A_150 : vector<1xf32> to vector<1x1x1xf32>
      %reduce_sum3A_152 = vector.extract %reduce_sum3A_151[0, 0, 0] : f32 from vector<1x1x1xf32>
      %jit3A_153 = arith.constant 0.000000e+00 : f32
      %broadcast_in_dim3A_154 = vector.broadcast %reduce_sum3A_152 : f32 to vector<1x128xf32>
      %broadcast_in_dim3A_155 = vector.broadcast %jit3A_153 : f32 to vector<1x128xf32>
      %select_n3A_156 = arith.select %eq3A_147, %broadcast_in_dim3A_154, %broadcast_in_dim3A_155 : vector<1x128xi1>, vector<1x128xf32>
      %add3A_157 = arith.addf %add3A_121, %select_n3A_156 : vector<1x128xf32>
      %lt3A_158 = arith.constant 0.899999976 : f32
      %lt3A_159 = vector.broadcast %lt3A_158 : f32 to vector<128x1xf32>
      %lt3A_160 = arith.cmpf olt, %broadcast_in_dim3A_60, %lt3A_159 : vector<128x1xf32>
      %and3A_161 = arith.andi %lt3A_160, %lt3A : vector<128x1xi1>
      %convert_element_type3A_162 = arith.extui %and3A_161 : vector<128x1xi1> to vector<128x1xi32>
      %add3A_163 = arith.addi %broadcast_in_dim3A_86, %convert_element_type3A_162 : vector<128x1xi32>
      %eq3A_164 = arith.constant 0 : i32
      %eq3A_165 = vector.broadcast %eq3A_164 : i32 to vector<128x1xi32>
      %eq3A_166 = arith.cmpi eq, %broadcast_in_dim3A_37, %eq3A_165 : vector<128x1xi32>
      %ge3A_167 = arith.constant 5 : i32
      %ge3A_168 = vector.broadcast %ge3A_167 : i32 to vector<128x1xi32>
      %ge3A_169 = arith.cmpi sge, %add3A_163, %ge3A_168 : vector<128x1xi32>
      %or3A_170 = arith.ori %eq3A_166, %ge3A_169 : vector<128x1xi1>
      %convert_element_type3A_171 = arith.sitofp %add3A_163 : vector<128x1xi32> to vector<128x1xf32>
      %add3A_172 = arith.constant 1.000000e+00 : f32
      %add3A_173 = vector.broadcast %add3A_172 : f32 to vector<128x1xf32>
      %add3A_174 = arith.addf %convert_element_type3A_171, %add3A_173 : vector<128x1xf32>
      %div3A_175 = arith.constant 1.000000e+00 : f32
      %div3A_176 = vector.broadcast %div3A_175 : f32 to vector<128x1xf32>
      %div3A_177 = arith.divf %div3A_176, %add3A_174 : vector<128x1xf32>
      %jit3A_178 = arith.constant 0.000000e+00 : f32
      %broadcast_in_dim3A_179 = vector.broadcast %jit3A_178 : f32 to vector<128x1xf32>
      %select_n3A_180 = arith.select %or3A_170, %broadcast_in_dim3A_179, %div3A_177 : vector<128x1xi1>, vector<128x1xf32>
      %eq3A_181 = arith.constant 2 : i32
      %eq3A_182 = vector.broadcast %eq3A_181 : i32 to vector<1x128xi32>
      %eq3A_183 = arith.cmpi eq, %iota3A_87, %eq3A_182 : vector<1x128xi32>
      %reduce_sum3A_184 = vector.shape_cast %select_n3A_180 : vector<128x1xf32> to vector<1x128x1xf32>
      %reduce_sum3A_185 = arith.constant dense<0.000000e+00> : vector<1xf32>
      %reduce_sum3A_186 = vector.multi_reduction <add>, %reduce_sum3A_184, %reduce_sum3A_185 [1, 2] : vector<1x128x1xf32> to vector<1xf32>
      %reduce_sum3A_187 = vector.shape_cast %reduce_sum3A_186 : vector<1xf32> to vector<1x1x1xf32>
      %reduce_sum3A_188 = vector.extract %reduce_sum3A_187[0, 0, 0] : f32 from vector<1x1x1xf32>
      %jit3A_189 = arith.constant 0.000000e+00 : f32
      %broadcast_in_dim3A_190 = vector.broadcast %reduce_sum3A_188 : f32 to vector<1x128xf32>
      %broadcast_in_dim3A_191 = vector.broadcast %jit3A_189 : f32 to vector<1x128xf32>
      %select_n3A_192 = arith.select %eq3A_183, %broadcast_in_dim3A_190, %broadcast_in_dim3A_191 : vector<1x128xi1>, vector<1x128xf32>
      %add3A_193 = arith.addf %add3A_157, %select_n3A_192 : vector<1x128xf32>
      %lt3A_194 = arith.constant 8.500000e-01 : f32
      %lt3A_195 = vector.broadcast %lt3A_194 : f32 to vector<128x1xf32>
      %lt3A_196 = arith.cmpf olt, %broadcast_in_dim3A_60, %lt3A_195 : vector<128x1xf32>
      %and3A_197 = arith.andi %lt3A_196, %lt3A : vector<128x1xi1>
      %convert_element_type3A_198 = arith.extui %and3A_197 : vector<128x1xi1> to vector<128x1xi32>
      %add3A_199 = arith.addi %broadcast_in_dim3A_86, %convert_element_type3A_198 : vector<128x1xi32>
      %eq3A_200 = arith.constant 0 : i32
      %eq3A_201 = vector.broadcast %eq3A_200 : i32 to vector<128x1xi32>
      %eq3A_202 = arith.cmpi eq, %broadcast_in_dim3A_37, %eq3A_201 : vector<128x1xi32>
      %ge3A_203 = arith.constant 5 : i32
      %ge3A_204 = vector.broadcast %ge3A_203 : i32 to vector<128x1xi32>
      %ge3A_205 = arith.cmpi sge, %add3A_199, %ge3A_204 : vector<128x1xi32>
      %or3A_206 = arith.ori %eq3A_202, %ge3A_205 : vector<128x1xi1>
      %convert_element_type3A_207 = arith.sitofp %add3A_199 : vector<128x1xi32> to vector<128x1xf32>
      %add3A_208 = arith.constant 1.000000e+00 : f32
      %add3A_209 = vector.broadcast %add3A_208 : f32 to vector<128x1xf32>
      %add3A_210 = arith.addf %convert_element_type3A_207, %add3A_209 : vector<128x1xf32>
      %div3A_211 = arith.constant 1.000000e+00 : f32
      %div3A_212 = vector.broadcast %div3A_211 : f32 to vector<128x1xf32>
      %div3A_213 = arith.divf %div3A_212, %add3A_210 : vector<128x1xf32>
      %jit3A_214 = arith.constant 0.000000e+00 : f32
      %broadcast_in_dim3A_215 = vector.broadcast %jit3A_214 : f32 to vector<128x1xf32>
      %select_n3A_216 = arith.select %or3A_206, %broadcast_in_dim3A_215, %div3A_213 : vector<128x1xi1>, vector<128x1xf32>
      %eq3A_217 = arith.constant 3 : i32
      %eq3A_218 = vector.broadcast %eq3A_217 : i32 to vector<1x128xi32>
      %eq3A_219 = arith.cmpi eq, %iota3A_87, %eq3A_218 : vector<1x128xi32>
      %reduce_sum3A_220 = vector.shape_cast %select_n3A_216 : vector<128x1xf32> to vector<1x128x1xf32>
      %reduce_sum3A_221 = arith.constant dense<0.000000e+00> : vector<1xf32>
      %reduce_sum3A_222 = vector.multi_reduction <add>, %reduce_sum3A_220, %reduce_sum3A_221 [1, 2] : vector<1x128x1xf32> to vector<1xf32>
      %reduce_sum3A_223 = vector.shape_cast %reduce_sum3A_222 : vector<1xf32> to vector<1x1x1xf32>
      %reduce_sum3A_224 = vector.extract %reduce_sum3A_223[0, 0, 0] : f32 from vector<1x1x1xf32>
      %jit3A_225 = arith.constant 0.000000e+00 : f32
      %broadcast_in_dim3A_226 = vector.broadcast %reduce_sum3A_224 : f32 to vector<1x128xf32>
      %broadcast_in_dim3A_227 = vector.broadcast %jit3A_225 : f32 to vector<1x128xf32>
      %select_n3A_228 = arith.select %eq3A_219, %broadcast_in_dim3A_226, %broadcast_in_dim3A_227 : vector<1x128xi1>, vector<1x128xf32>
      %add3A_229 = arith.addf %add3A_193, %select_n3A_228 : vector<1x128xf32>
      %lt3A_230 = arith.constant 8.000000e-01 : f32
      %lt3A_231 = vector.broadcast %lt3A_230 : f32 to vector<128x1xf32>
      %lt3A_232 = arith.cmpf olt, %broadcast_in_dim3A_60, %lt3A_231 : vector<128x1xf32>
      %and3A_233 = arith.andi %lt3A_232, %lt3A : vector<128x1xi1>
      %convert_element_type3A_234 = arith.extui %and3A_233 : vector<128x1xi1> to vector<128x1xi32>
      %add3A_235 = arith.addi %broadcast_in_dim3A_86, %convert_element_type3A_234 : vector<128x1xi32>
      %eq3A_236 = arith.constant 0 : i32
      %eq3A_237 = vector.broadcast %eq3A_236 : i32 to vector<128x1xi32>
      %eq3A_238 = arith.cmpi eq, %broadcast_in_dim3A_37, %eq3A_237 : vector<128x1xi32>
      %ge3A_239 = arith.constant 5 : i32
      %ge3A_240 = vector.broadcast %ge3A_239 : i32 to vector<128x1xi32>
      %ge3A_241 = arith.cmpi sge, %add3A_235, %ge3A_240 : vector<128x1xi32>
      %or3A_242 = arith.ori %eq3A_238, %ge3A_241 : vector<128x1xi1>
      %convert_element_type3A_243 = arith.sitofp %add3A_235 : vector<128x1xi32> to vector<128x1xf32>
      %add3A_244 = arith.constant 1.000000e+00 : f32
      %add3A_245 = vector.broadcast %add3A_244 : f32 to vector<128x1xf32>
      %add3A_246 = arith.addf %convert_element_type3A_243, %add3A_245 : vector<128x1xf32>
      %div3A_247 = arith.constant 1.000000e+00 : f32
      %div3A_248 = vector.broadcast %div3A_247 : f32 to vector<128x1xf32>
      %div3A_249 = arith.divf %div3A_248, %add3A_246 : vector<128x1xf32>
      %jit3A_250 = arith.constant 0.000000e+00 : f32
      %broadcast_in_dim3A_251 = vector.broadcast %jit3A_250 : f32 to vector<128x1xf32>
      %select_n3A_252 = arith.select %or3A_242, %broadcast_in_dim3A_251, %div3A_249 : vector<128x1xi1>, vector<128x1xf32>
      %eq3A_253 = arith.constant 4 : i32
      %eq3A_254 = vector.broadcast %eq3A_253 : i32 to vector<1x128xi32>
      %eq3A_255 = arith.cmpi eq, %iota3A_87, %eq3A_254 : vector<1x128xi32>
      %reduce_sum3A_256 = vector.shape_cast %select_n3A_252 : vector<128x1xf32> to vector<1x128x1xf32>
      %reduce_sum3A_257 = arith.constant dense<0.000000e+00> : vector<1xf32>
      %reduce_sum3A_258 = vector.multi_reduction <add>, %reduce_sum3A_256, %reduce_sum3A_257 [1, 2] : vector<1x128x1xf32> to vector<1xf32>
      %reduce_sum3A_259 = vector.shape_cast %reduce_sum3A_258 : vector<1xf32> to vector<1x1x1xf32>
      %reduce_sum3A_260 = vector.extract %reduce_sum3A_259[0, 0, 0] : f32 from vector<1x1x1xf32>
      %jit3A_261 = arith.constant 0.000000e+00 : f32
      %broadcast_in_dim3A_262 = vector.broadcast %reduce_sum3A_260 : f32 to vector<1x128xf32>
      %broadcast_in_dim3A_263 = vector.broadcast %jit3A_261 : f32 to vector<1x128xf32>
      %select_n3A_264 = arith.select %eq3A_255, %broadcast_in_dim3A_262, %broadcast_in_dim3A_263 : vector<1x128xi1>, vector<1x128xf32>
      %add3A_265 = arith.addf %add3A_229, %select_n3A_264 : vector<1x128xf32>
      %lt3A_266 = arith.constant 7.500000e-01 : f32
      %lt3A_267 = vector.broadcast %lt3A_266 : f32 to vector<128x1xf32>
      %lt3A_268 = arith.cmpf olt, %broadcast_in_dim3A_60, %lt3A_267 : vector<128x1xf32>
      %and3A_269 = arith.andi %lt3A_268, %lt3A : vector<128x1xi1>
      %convert_element_type3A_270 = arith.extui %and3A_269 : vector<128x1xi1> to vector<128x1xi32>
      %add3A_271 = arith.addi %broadcast_in_dim3A_86, %convert_element_type3A_270 : vector<128x1xi32>
      %eq3A_272 = arith.constant 0 : i32
      %eq3A_273 = vector.broadcast %eq3A_272 : i32 to vector<128x1xi32>
      %eq3A_274 = arith.cmpi eq, %broadcast_in_dim3A_37, %eq3A_273 : vector<128x1xi32>
      %ge3A_275 = arith.constant 5 : i32
      %ge3A_276 = vector.broadcast %ge3A_275 : i32 to vector<128x1xi32>
      %ge3A_277 = arith.cmpi sge, %add3A_271, %ge3A_276 : vector<128x1xi32>
      %or3A_278 = arith.ori %eq3A_274, %ge3A_277 : vector<128x1xi1>
      %convert_element_type3A_279 = arith.sitofp %add3A_271 : vector<128x1xi32> to vector<128x1xf32>
      %add3A_280 = arith.constant 1.000000e+00 : f32
      %add3A_281 = vector.broadcast %add3A_280 : f32 to vector<128x1xf32>
      %add3A_282 = arith.addf %convert_element_type3A_279, %add3A_281 : vector<128x1xf32>
      %div3A_283 = arith.constant 1.000000e+00 : f32
      %div3A_284 = vector.broadcast %div3A_283 : f32 to vector<128x1xf32>
      %div3A_285 = arith.divf %div3A_284, %add3A_282 : vector<128x1xf32>
      %jit3A_286 = arith.constant 0.000000e+00 : f32
      %broadcast_in_dim3A_287 = vector.broadcast %jit3A_286 : f32 to vector<128x1xf32>
      %select_n3A_288 = arith.select %or3A_278, %broadcast_in_dim3A_287, %div3A_285 : vector<128x1xi1>, vector<128x1xf32>
      %eq3A_289 = arith.constant 5 : i32
      %eq3A_290 = vector.broadcast %eq3A_289 : i32 to vector<1x128xi32>
      %eq3A_291 = arith.cmpi eq, %iota3A_87, %eq3A_290 : vector<1x128xi32>
      %reduce_sum3A_292 = vector.shape_cast %select_n3A_288 : vector<128x1xf32> to vector<1x128x1xf32>
      %reduce_sum3A_293 = arith.constant dense<0.000000e+00> : vector<1xf32>
      %reduce_sum3A_294 = vector.multi_reduction <add>, %reduce_sum3A_292, %reduce_sum3A_293 [1, 2] : vector<1x128x1xf32> to vector<1xf32>
      %reduce_sum3A_295 = vector.shape_cast %reduce_sum3A_294 : vector<1xf32> to vector<1x1x1xf32>
      %reduce_sum3A_296 = vector.extract %reduce_sum3A_295[0, 0, 0] : f32 from vector<1x1x1xf32>
      %jit3A_297 = arith.constant 0.000000e+00 : f32
      %broadcast_in_dim3A_298 = vector.broadcast %reduce_sum3A_296 : f32 to vector<1x128xf32>
      %broadcast_in_dim3A_299 = vector.broadcast %jit3A_297 : f32 to vector<1x128xf32>
      %select_n3A_300 = arith.select %eq3A_291, %broadcast_in_dim3A_298, %broadcast_in_dim3A_299 : vector<1x128xi1>, vector<1x128xf32>
      %add3A_301 = arith.addf %add3A_265, %select_n3A_300 : vector<1x128xf32>
      %lt3A_302 = arith.constant 0.699999988 : f32
      %lt3A_303 = vector.broadcast %lt3A_302 : f32 to vector<128x1xf32>
      %lt3A_304 = arith.cmpf olt, %broadcast_in_dim3A_60, %lt3A_303 : vector<128x1xf32>
      %and3A_305 = arith.andi %lt3A_304, %lt3A : vector<128x1xi1>
      %convert_element_type3A_306 = arith.extui %and3A_305 : vector<128x1xi1> to vector<128x1xi32>
      %add3A_307 = arith.addi %broadcast_in_dim3A_86, %convert_element_type3A_306 : vector<128x1xi32>
      %eq3A_308 = arith.constant 0 : i32
      %eq3A_309 = vector.broadcast %eq3A_308 : i32 to vector<128x1xi32>
      %eq3A_310 = arith.cmpi eq, %broadcast_in_dim3A_37, %eq3A_309 : vector<128x1xi32>
      %ge3A_311 = arith.constant 5 : i32
      %ge3A_312 = vector.broadcast %ge3A_311 : i32 to vector<128x1xi32>
      %ge3A_313 = arith.cmpi sge, %add3A_307, %ge3A_312 : vector<128x1xi32>
      %or3A_314 = arith.ori %eq3A_310, %ge3A_313 : vector<128x1xi1>
      %convert_element_type3A_315 = arith.sitofp %add3A_307 : vector<128x1xi32> to vector<128x1xf32>
      %add3A_316 = arith.constant 1.000000e+00 : f32
      %add3A_317 = vector.broadcast %add3A_316 : f32 to vector<128x1xf32>
      %add3A_318 = arith.addf %convert_element_type3A_315, %add3A_317 : vector<128x1xf32>
      %div3A_319 = arith.constant 1.000000e+00 : f32
      %div3A_320 = vector.broadcast %div3A_319 : f32 to vector<128x1xf32>
      %div3A_321 = arith.divf %div3A_320, %add3A_318 : vector<128x1xf32>
      %jit3A_322 = arith.constant 0.000000e+00 : f32
      %broadcast_in_dim3A_323 = vector.broadcast %jit3A_322 : f32 to vector<128x1xf32>
      %select_n3A_324 = arith.select %or3A_314, %broadcast_in_dim3A_323, %div3A_321 : vector<128x1xi1>, vector<128x1xf32>
      %eq3A_325 = arith.constant 6 : i32
      %eq3A_326 = vector.broadcast %eq3A_325 : i32 to vector<1x128xi32>
      %eq3A_327 = arith.cmpi eq, %iota3A_87, %eq3A_326 : vector<1x128xi32>
      %reduce_sum3A_328 = vector.shape_cast %select_n3A_324 : vector<128x1xf32> to vector<1x128x1xf32>
      %reduce_sum3A_329 = arith.constant dense<0.000000e+00> : vector<1xf32>
      %reduce_sum3A_330 = vector.multi_reduction <add>, %reduce_sum3A_328, %reduce_sum3A_329 [1, 2] : vector<1x128x1xf32> to vector<1xf32>
      %reduce_sum3A_331 = vector.shape_cast %reduce_sum3A_330 : vector<1xf32> to vector<1x1x1xf32>
      %reduce_sum3A_332 = vector.extract %reduce_sum3A_331[0, 0, 0] : f32 from vector<1x1x1xf32>
      %jit3A_333 = arith.constant 0.000000e+00 : f32
      %broadcast_in_dim3A_334 = vector.broadcast %reduce_sum3A_332 : f32 to vector<1x128xf32>
      %broadcast_in_dim3A_335 = vector.broadcast %jit3A_333 : f32 to vector<1x128xf32>
      %select_n3A_336 = arith.select %eq3A_327, %broadcast_in_dim3A_334, %broadcast_in_dim3A_335 : vector<1x128xi1>, vector<1x128xf32>
      %add3A_337 = arith.addf %add3A_301, %select_n3A_336 : vector<1x128xf32>
      %lt3A_338 = arith.constant 6.500000e-01 : f32
      %lt3A_339 = vector.broadcast %lt3A_338 : f32 to vector<128x1xf32>
      %lt3A_340 = arith.cmpf olt, %broadcast_in_dim3A_60, %lt3A_339 : vector<128x1xf32>
      %and3A_341 = arith.andi %lt3A_340, %lt3A : vector<128x1xi1>
      %convert_element_type3A_342 = arith.extui %and3A_341 : vector<128x1xi1> to vector<128x1xi32>
      %add3A_343 = arith.addi %broadcast_in_dim3A_86, %convert_element_type3A_342 : vector<128x1xi32>
      %eq3A_344 = arith.constant 0 : i32
      %eq3A_345 = vector.broadcast %eq3A_344 : i32 to vector<128x1xi32>
      %eq3A_346 = arith.cmpi eq, %broadcast_in_dim3A_37, %eq3A_345 : vector<128x1xi32>
      %ge3A_347 = arith.constant 5 : i32
      %ge3A_348 = vector.broadcast %ge3A_347 : i32 to vector<128x1xi32>
      %ge3A_349 = arith.cmpi sge, %add3A_343, %ge3A_348 : vector<128x1xi32>
      %or3A_350 = arith.ori %eq3A_346, %ge3A_349 : vector<128x1xi1>
      %convert_element_type3A_351 = arith.sitofp %add3A_343 : vector<128x1xi32> to vector<128x1xf32>
      %add3A_352 = arith.constant 1.000000e+00 : f32
      %add3A_353 = vector.broadcast %add3A_352 : f32 to vector<128x1xf32>
      %add3A_354 = arith.addf %convert_element_type3A_351, %add3A_353 : vector<128x1xf32>
      %div3A_355 = arith.constant 1.000000e+00 : f32
      %div3A_356 = vector.broadcast %div3A_355 : f32 to vector<128x1xf32>
      %div3A_357 = arith.divf %div3A_356, %add3A_354 : vector<128x1xf32>
      %jit3A_358 = arith.constant 0.000000e+00 : f32
      %broadcast_in_dim3A_359 = vector.broadcast %jit3A_358 : f32 to vector<128x1xf32>
      %select_n3A_360 = arith.select %or3A_350, %broadcast_in_dim3A_359, %div3A_357 : vector<128x1xi1>, vector<128x1xf32>
      %eq3A_361 = arith.constant 7 : i32
      %eq3A_362 = vector.broadcast %eq3A_361 : i32 to vector<1x128xi32>
      %eq3A_363 = arith.cmpi eq, %iota3A_87, %eq3A_362 : vector<1x128xi32>
      %reduce_sum3A_364 = vector.shape_cast %select_n3A_360 : vector<128x1xf32> to vector<1x128x1xf32>
      %reduce_sum3A_365 = arith.constant dense<0.000000e+00> : vector<1xf32>
      %reduce_sum3A_366 = vector.multi_reduction <add>, %reduce_sum3A_364, %reduce_sum3A_365 [1, 2] : vector<1x128x1xf32> to vector<1xf32>
      %reduce_sum3A_367 = vector.shape_cast %reduce_sum3A_366 : vector<1xf32> to vector<1x1x1xf32>
      %reduce_sum3A_368 = vector.extract %reduce_sum3A_367[0, 0, 0] : f32 from vector<1x1x1xf32>
      %jit3A_369 = arith.constant 0.000000e+00 : f32
      %broadcast_in_dim3A_370 = vector.broadcast %reduce_sum3A_368 : f32 to vector<1x128xf32>
      %broadcast_in_dim3A_371 = vector.broadcast %jit3A_369 : f32 to vector<1x128xf32>
      %select_n3A_372 = arith.select %eq3A_363, %broadcast_in_dim3A_370, %broadcast_in_dim3A_371 : vector<1x128xi1>, vector<1x128xf32>
      %add3A_373 = arith.addf %add3A_337, %select_n3A_372 : vector<1x128xf32>
      %lt3A_374 = arith.constant 6.000000e-01 : f32
      %lt3A_375 = vector.broadcast %lt3A_374 : f32 to vector<128x1xf32>
      %lt3A_376 = arith.cmpf olt, %broadcast_in_dim3A_60, %lt3A_375 : vector<128x1xf32>
      %and3A_377 = arith.andi %lt3A_376, %lt3A : vector<128x1xi1>
      %convert_element_type3A_378 = arith.extui %and3A_377 : vector<128x1xi1> to vector<128x1xi32>
      %add3A_379 = arith.addi %broadcast_in_dim3A_86, %convert_element_type3A_378 : vector<128x1xi32>
      %eq3A_380 = arith.constant 0 : i32
      %eq3A_381 = vector.broadcast %eq3A_380 : i32 to vector<128x1xi32>
      %eq3A_382 = arith.cmpi eq, %broadcast_in_dim3A_37, %eq3A_381 : vector<128x1xi32>
      %ge3A_383 = arith.constant 5 : i32
      %ge3A_384 = vector.broadcast %ge3A_383 : i32 to vector<128x1xi32>
      %ge3A_385 = arith.cmpi sge, %add3A_379, %ge3A_384 : vector<128x1xi32>
      %or3A_386 = arith.ori %eq3A_382, %ge3A_385 : vector<128x1xi1>
      %convert_element_type3A_387 = arith.sitofp %add3A_379 : vector<128x1xi32> to vector<128x1xf32>
      %add3A_388 = arith.constant 1.000000e+00 : f32
      %add3A_389 = vector.broadcast %add3A_388 : f32 to vector<128x1xf32>
      %add3A_390 = arith.addf %convert_element_type3A_387, %add3A_389 : vector<128x1xf32>
      %div3A_391 = arith.constant 1.000000e+00 : f32
      %div3A_392 = vector.broadcast %div3A_391 : f32 to vector<128x1xf32>
      %div3A_393 = arith.divf %div3A_392, %add3A_390 : vector<128x1xf32>
      %jit3A_394 = arith.constant 0.000000e+00 : f32
      %broadcast_in_dim3A_395 = vector.broadcast %jit3A_394 : f32 to vector<128x1xf32>
      %select_n3A_396 = arith.select %or3A_386, %broadcast_in_dim3A_395, %div3A_393 : vector<128x1xi1>, vector<128x1xf32>
      %eq3A_397 = arith.constant 8 : i32
      %eq3A_398 = vector.broadcast %eq3A_397 : i32 to vector<1x128xi32>
      %eq3A_399 = arith.cmpi eq, %iota3A_87, %eq3A_398 : vector<1x128xi32>
      %reduce_sum3A_400 = vector.shape_cast %select_n3A_396 : vector<128x1xf32> to vector<1x128x1xf32>
      %reduce_sum3A_401 = arith.constant dense<0.000000e+00> : vector<1xf32>
      %reduce_sum3A_402 = vector.multi_reduction <add>, %reduce_sum3A_400, %reduce_sum3A_401 [1, 2] : vector<1x128x1xf32> to vector<1xf32>
      %reduce_sum3A_403 = vector.shape_cast %reduce_sum3A_402 : vector<1xf32> to vector<1x1x1xf32>
      %reduce_sum3A_404 = vector.extract %reduce_sum3A_403[0, 0, 0] : f32 from vector<1x1x1xf32>
      %jit3A_405 = arith.constant 0.000000e+00 : f32
      %broadcast_in_dim3A_406 = vector.broadcast %reduce_sum3A_404 : f32 to vector<1x128xf32>
      %broadcast_in_dim3A_407 = vector.broadcast %jit3A_405 : f32 to vector<1x128xf32>
      %select_n3A_408 = arith.select %eq3A_399, %broadcast_in_dim3A_406, %broadcast_in_dim3A_407 : vector<1x128xi1>, vector<1x128xf32>
      %add3A_409 = arith.addf %add3A_373, %select_n3A_408 : vector<1x128xf32>
      %lt3A_410 = arith.constant 5.500000e-01 : f32
      %lt3A_411 = vector.broadcast %lt3A_410 : f32 to vector<128x1xf32>
      %lt3A_412 = arith.cmpf olt, %broadcast_in_dim3A_60, %lt3A_411 : vector<128x1xf32>
      %and3A_413 = arith.andi %lt3A_412, %lt3A : vector<128x1xi1>
      %convert_element_type3A_414 = arith.extui %and3A_413 : vector<128x1xi1> to vector<128x1xi32>
      %add3A_415 = arith.addi %broadcast_in_dim3A_86, %convert_element_type3A_414 : vector<128x1xi32>
      %eq3A_416 = arith.constant 0 : i32
      %eq3A_417 = vector.broadcast %eq3A_416 : i32 to vector<128x1xi32>
      %eq3A_418 = arith.cmpi eq, %broadcast_in_dim3A_37, %eq3A_417 : vector<128x1xi32>
      %ge3A_419 = arith.constant 5 : i32
      %ge3A_420 = vector.broadcast %ge3A_419 : i32 to vector<128x1xi32>
      %ge3A_421 = arith.cmpi sge, %add3A_415, %ge3A_420 : vector<128x1xi32>
      %or3A_422 = arith.ori %eq3A_418, %ge3A_421 : vector<128x1xi1>
      %convert_element_type3A_423 = arith.sitofp %add3A_415 : vector<128x1xi32> to vector<128x1xf32>
      %add3A_424 = arith.constant 1.000000e+00 : f32
      %add3A_425 = vector.broadcast %add3A_424 : f32 to vector<128x1xf32>
      %add3A_426 = arith.addf %convert_element_type3A_423, %add3A_425 : vector<128x1xf32>
      %div3A_427 = arith.constant 1.000000e+00 : f32
      %div3A_428 = vector.broadcast %div3A_427 : f32 to vector<128x1xf32>
      %div3A_429 = arith.divf %div3A_428, %add3A_426 : vector<128x1xf32>
      %jit3A_430 = arith.constant 0.000000e+00 : f32
      %broadcast_in_dim3A_431 = vector.broadcast %jit3A_430 : f32 to vector<128x1xf32>
      %select_n3A_432 = arith.select %or3A_422, %broadcast_in_dim3A_431, %div3A_429 : vector<128x1xi1>, vector<128x1xf32>
      %eq3A_433 = arith.constant 9 : i32
      %eq3A_434 = vector.broadcast %eq3A_433 : i32 to vector<1x128xi32>
      %eq3A_435 = arith.cmpi eq, %iota3A_87, %eq3A_434 : vector<1x128xi32>
      %reduce_sum3A_436 = vector.shape_cast %select_n3A_432 : vector<128x1xf32> to vector<1x128x1xf32>
      %reduce_sum3A_437 = arith.constant dense<0.000000e+00> : vector<1xf32>
      %reduce_sum3A_438 = vector.multi_reduction <add>, %reduce_sum3A_436, %reduce_sum3A_437 [1, 2] : vector<1x128x1xf32> to vector<1xf32>
      %reduce_sum3A_439 = vector.shape_cast %reduce_sum3A_438 : vector<1xf32> to vector<1x1x1xf32>
      %reduce_sum3A_440 = vector.extract %reduce_sum3A_439[0, 0, 0] : f32 from vector<1x1x1xf32>
      %jit3A_441 = arith.constant 0.000000e+00 : f32
      %broadcast_in_dim3A_442 = vector.broadcast %reduce_sum3A_440 : f32 to vector<1x128xf32>
      %broadcast_in_dim3A_443 = vector.broadcast %jit3A_441 : f32 to vector<1x128xf32>
      %select_n3A_444 = arith.select %eq3A_435, %broadcast_in_dim3A_442, %broadcast_in_dim3A_443 : vector<1x128xi1>, vector<1x128xf32>
      %add3A_445 = arith.addf %add3A_409, %select_n3A_444 : vector<1x128xf32>
      %lt3A_446 = arith.constant 5.000000e-01 : f32
      %lt3A_447 = vector.broadcast %lt3A_446 : f32 to vector<128x1xf32>
      %lt3A_448 = arith.cmpf olt, %broadcast_in_dim3A_60, %lt3A_447 : vector<128x1xf32>
      %and3A_449 = arith.andi %lt3A_448, %lt3A : vector<128x1xi1>
      %convert_element_type3A_450 = arith.extui %and3A_449 : vector<128x1xi1> to vector<128x1xi32>
      %add3A_451 = arith.addi %broadcast_in_dim3A_86, %convert_element_type3A_450 : vector<128x1xi32>
      %eq3A_452 = arith.constant 0 : i32
      %eq3A_453 = vector.broadcast %eq3A_452 : i32 to vector<128x1xi32>
      %eq3A_454 = arith.cmpi eq, %broadcast_in_dim3A_37, %eq3A_453 : vector<128x1xi32>
      %ge3A_455 = arith.constant 5 : i32
      %ge3A_456 = vector.broadcast %ge3A_455 : i32 to vector<128x1xi32>
      %ge3A_457 = arith.cmpi sge, %add3A_451, %ge3A_456 : vector<128x1xi32>
      %or3A_458 = arith.ori %eq3A_454, %ge3A_457 : vector<128x1xi1>
      %convert_element_type3A_459 = arith.sitofp %add3A_451 : vector<128x1xi32> to vector<128x1xf32>
      %add3A_460 = arith.constant 1.000000e+00 : f32
      %add3A_461 = vector.broadcast %add3A_460 : f32 to vector<128x1xf32>
      %add3A_462 = arith.addf %convert_element_type3A_459, %add3A_461 : vector<128x1xf32>
      %div3A_463 = arith.constant 1.000000e+00 : f32
      %div3A_464 = vector.broadcast %div3A_463 : f32 to vector<128x1xf32>
      %div3A_465 = arith.divf %div3A_464, %add3A_462 : vector<128x1xf32>
      %jit3A_466 = arith.constant 0.000000e+00 : f32
      %broadcast_in_dim3A_467 = vector.broadcast %jit3A_466 : f32 to vector<128x1xf32>
      %select_n3A_468 = arith.select %or3A_458, %broadcast_in_dim3A_467, %div3A_465 : vector<128x1xi1>, vector<128x1xf32>
      %eq3A_469 = arith.constant 10 : i32
      %eq3A_470 = vector.broadcast %eq3A_469 : i32 to vector<1x128xi32>
      %eq3A_471 = arith.cmpi eq, %iota3A_87, %eq3A_470 : vector<1x128xi32>
      %reduce_sum3A_472 = vector.shape_cast %select_n3A_468 : vector<128x1xf32> to vector<1x128x1xf32>
      %reduce_sum3A_473 = arith.constant dense<0.000000e+00> : vector<1xf32>
      %reduce_sum3A_474 = vector.multi_reduction <add>, %reduce_sum3A_472, %reduce_sum3A_473 [1, 2] : vector<1x128x1xf32> to vector<1xf32>
      %reduce_sum3A_475 = vector.shape_cast %reduce_sum3A_474 : vector<1xf32> to vector<1x1x1xf32>
      %reduce_sum3A_476 = vector.extract %reduce_sum3A_475[0, 0, 0] : f32 from vector<1x1x1xf32>
      %jit3A_477 = arith.constant 0.000000e+00 : f32
      %broadcast_in_dim3A_478 = vector.broadcast %reduce_sum3A_476 : f32 to vector<1x128xf32>
      %broadcast_in_dim3A_479 = vector.broadcast %jit3A_477 : f32 to vector<1x128xf32>
      %select_n3A_480 = arith.select %eq3A_471, %broadcast_in_dim3A_478, %broadcast_in_dim3A_479 : vector<1x128xi1>, vector<1x128xf32>
      %add3A_481 = arith.addf %add3A_445, %select_n3A_480 : vector<1x128xf32>
      %lt3A_482 = arith.constant 4.500000e-01 : f32
      %lt3A_483 = vector.broadcast %lt3A_482 : f32 to vector<128x1xf32>
      %lt3A_484 = arith.cmpf olt, %broadcast_in_dim3A_60, %lt3A_483 : vector<128x1xf32>
      %and3A_485 = arith.andi %lt3A_484, %lt3A : vector<128x1xi1>
      %convert_element_type3A_486 = arith.extui %and3A_485 : vector<128x1xi1> to vector<128x1xi32>
      %add3A_487 = arith.addi %broadcast_in_dim3A_86, %convert_element_type3A_486 : vector<128x1xi32>
      %eq3A_488 = arith.constant 0 : i32
      %eq3A_489 = vector.broadcast %eq3A_488 : i32 to vector<128x1xi32>
      %eq3A_490 = arith.cmpi eq, %broadcast_in_dim3A_37, %eq3A_489 : vector<128x1xi32>
      %ge3A_491 = arith.constant 5 : i32
      %ge3A_492 = vector.broadcast %ge3A_491 : i32 to vector<128x1xi32>
      %ge3A_493 = arith.cmpi sge, %add3A_487, %ge3A_492 : vector<128x1xi32>
      %or3A_494 = arith.ori %eq3A_490, %ge3A_493 : vector<128x1xi1>
      %convert_element_type3A_495 = arith.sitofp %add3A_487 : vector<128x1xi32> to vector<128x1xf32>
      %add3A_496 = arith.constant 1.000000e+00 : f32
      %add3A_497 = vector.broadcast %add3A_496 : f32 to vector<128x1xf32>
      %add3A_498 = arith.addf %convert_element_type3A_495, %add3A_497 : vector<128x1xf32>
      %div3A_499 = arith.constant 1.000000e+00 : f32
      %div3A_500 = vector.broadcast %div3A_499 : f32 to vector<128x1xf32>
      %div3A_501 = arith.divf %div3A_500, %add3A_498 : vector<128x1xf32>
      %jit3A_502 = arith.constant 0.000000e+00 : f32
      %broadcast_in_dim3A_503 = vector.broadcast %jit3A_502 : f32 to vector<128x1xf32>
      %select_n3A_504 = arith.select %or3A_494, %broadcast_in_dim3A_503, %div3A_501 : vector<128x1xi1>, vector<128x1xf32>
      %eq3A_505 = arith.constant 11 : i32
      %eq3A_506 = vector.broadcast %eq3A_505 : i32 to vector<1x128xi32>
      %eq3A_507 = arith.cmpi eq, %iota3A_87, %eq3A_506 : vector<1x128xi32>
      %reduce_sum3A_508 = vector.shape_cast %select_n3A_504 : vector<128x1xf32> to vector<1x128x1xf32>
      %reduce_sum3A_509 = arith.constant dense<0.000000e+00> : vector<1xf32>
      %reduce_sum3A_510 = vector.multi_reduction <add>, %reduce_sum3A_508, %reduce_sum3A_509 [1, 2] : vector<1x128x1xf32> to vector<1xf32>
      %reduce_sum3A_511 = vector.shape_cast %reduce_sum3A_510 : vector<1xf32> to vector<1x1x1xf32>
      %reduce_sum3A_512 = vector.extract %reduce_sum3A_511[0, 0, 0] : f32 from vector<1x1x1xf32>
      %jit3A_513 = arith.constant 0.000000e+00 : f32
      %broadcast_in_dim3A_514 = vector.broadcast %reduce_sum3A_512 : f32 to vector<1x128xf32>
      %broadcast_in_dim3A_515 = vector.broadcast %jit3A_513 : f32 to vector<1x128xf32>
      %select_n3A_516 = arith.select %eq3A_507, %broadcast_in_dim3A_514, %broadcast_in_dim3A_515 : vector<1x128xi1>, vector<1x128xf32>
      %add3A_517 = arith.addf %add3A_481, %select_n3A_516 : vector<1x128xf32>
      %lt3A_518 = arith.constant 4.000000e-01 : f32
      %lt3A_519 = vector.broadcast %lt3A_518 : f32 to vector<128x1xf32>
      %lt3A_520 = arith.cmpf olt, %broadcast_in_dim3A_60, %lt3A_519 : vector<128x1xf32>
      %and3A_521 = arith.andi %lt3A_520, %lt3A : vector<128x1xi1>
      %convert_element_type3A_522 = arith.extui %and3A_521 : vector<128x1xi1> to vector<128x1xi32>
      %add3A_523 = arith.addi %broadcast_in_dim3A_86, %convert_element_type3A_522 : vector<128x1xi32>
      %eq3A_524 = arith.constant 0 : i32
      %eq3A_525 = vector.broadcast %eq3A_524 : i32 to vector<128x1xi32>
      %eq3A_526 = arith.cmpi eq, %broadcast_in_dim3A_37, %eq3A_525 : vector<128x1xi32>
      %ge3A_527 = arith.constant 5 : i32
      %ge3A_528 = vector.broadcast %ge3A_527 : i32 to vector<128x1xi32>
      %ge3A_529 = arith.cmpi sge, %add3A_523, %ge3A_528 : vector<128x1xi32>
      %or3A_530 = arith.ori %eq3A_526, %ge3A_529 : vector<128x1xi1>
      %convert_element_type3A_531 = arith.sitofp %add3A_523 : vector<128x1xi32> to vector<128x1xf32>
      %add3A_532 = arith.constant 1.000000e+00 : f32
      %add3A_533 = vector.broadcast %add3A_532 : f32 to vector<128x1xf32>
      %add3A_534 = arith.addf %convert_element_type3A_531, %add3A_533 : vector<128x1xf32>
      %div3A_535 = arith.constant 1.000000e+00 : f32
      %div3A_536 = vector.broadcast %div3A_535 : f32 to vector<128x1xf32>
      %div3A_537 = arith.divf %div3A_536, %add3A_534 : vector<128x1xf32>
      %jit3A_538 = arith.constant 0.000000e+00 : f32
      %broadcast_in_dim3A_539 = vector.broadcast %jit3A_538 : f32 to vector<128x1xf32>
      %select_n3A_540 = arith.select %or3A_530, %broadcast_in_dim3A_539, %div3A_537 : vector<128x1xi1>, vector<128x1xf32>
      %eq3A_541 = arith.constant 12 : i32
      %eq3A_542 = vector.broadcast %eq3A_541 : i32 to vector<1x128xi32>
      %eq3A_543 = arith.cmpi eq, %iota3A_87, %eq3A_542 : vector<1x128xi32>
      %reduce_sum3A_544 = vector.shape_cast %select_n3A_540 : vector<128x1xf32> to vector<1x128x1xf32>
      %reduce_sum3A_545 = arith.constant dense<0.000000e+00> : vector<1xf32>
      %reduce_sum3A_546 = vector.multi_reduction <add>, %reduce_sum3A_544, %reduce_sum3A_545 [1, 2] : vector<1x128x1xf32> to vector<1xf32>
      %reduce_sum3A_547 = vector.shape_cast %reduce_sum3A_546 : vector<1xf32> to vector<1x1x1xf32>
      %reduce_sum3A_548 = vector.extract %reduce_sum3A_547[0, 0, 0] : f32 from vector<1x1x1xf32>
      %jit3A_549 = arith.constant 0.000000e+00 : f32
      %broadcast_in_dim3A_550 = vector.broadcast %reduce_sum3A_548 : f32 to vector<1x128xf32>
      %broadcast_in_dim3A_551 = vector.broadcast %jit3A_549 : f32 to vector<1x128xf32>
      %select_n3A_552 = arith.select %eq3A_543, %broadcast_in_dim3A_550, %broadcast_in_dim3A_551 : vector<1x128xi1>, vector<1x128xf32>
      %add3A_553 = arith.addf %add3A_517, %select_n3A_552 : vector<1x128xf32>
      %lt3A_554 = arith.constant 3.500000e-01 : f32
      %lt3A_555 = vector.broadcast %lt3A_554 : f32 to vector<128x1xf32>
      %lt3A_556 = arith.cmpf olt, %broadcast_in_dim3A_60, %lt3A_555 : vector<128x1xf32>
      %and3A_557 = arith.andi %lt3A_556, %lt3A : vector<128x1xi1>
      %convert_element_type3A_558 = arith.extui %and3A_557 : vector<128x1xi1> to vector<128x1xi32>
      %add3A_559 = arith.addi %broadcast_in_dim3A_86, %convert_element_type3A_558 : vector<128x1xi32>
      %eq3A_560 = arith.constant 0 : i32
      %eq3A_561 = vector.broadcast %eq3A_560 : i32 to vector<128x1xi32>
      %eq3A_562 = arith.cmpi eq, %broadcast_in_dim3A_37, %eq3A_561 : vector<128x1xi32>
      %ge3A_563 = arith.constant 5 : i32
      %ge3A_564 = vector.broadcast %ge3A_563 : i32 to vector<128x1xi32>
      %ge3A_565 = arith.cmpi sge, %add3A_559, %ge3A_564 : vector<128x1xi32>
      %or3A_566 = arith.ori %eq3A_562, %ge3A_565 : vector<128x1xi1>
      %convert_element_type3A_567 = arith.sitofp %add3A_559 : vector<128x1xi32> to vector<128x1xf32>
      %add3A_568 = arith.constant 1.000000e+00 : f32
      %add3A_569 = vector.broadcast %add3A_568 : f32 to vector<128x1xf32>
      %add3A_570 = arith.addf %convert_element_type3A_567, %add3A_569 : vector<128x1xf32>
      %div3A_571 = arith.constant 1.000000e+00 : f32
      %div3A_572 = vector.broadcast %div3A_571 : f32 to vector<128x1xf32>
      %div3A_573 = arith.divf %div3A_572, %add3A_570 : vector<128x1xf32>
      %jit3A_574 = arith.constant 0.000000e+00 : f32
      %broadcast_in_dim3A_575 = vector.broadcast %jit3A_574 : f32 to vector<128x1xf32>
      %select_n3A_576 = arith.select %or3A_566, %broadcast_in_dim3A_575, %div3A_573 : vector<128x1xi1>, vector<128x1xf32>
      %eq3A_577 = arith.constant 13 : i32
      %eq3A_578 = vector.broadcast %eq3A_577 : i32 to vector<1x128xi32>
      %eq3A_579 = arith.cmpi eq, %iota3A_87, %eq3A_578 : vector<1x128xi32>
      %reduce_sum3A_580 = vector.shape_cast %select_n3A_576 : vector<128x1xf32> to vector<1x128x1xf32>
      %reduce_sum3A_581 = arith.constant dense<0.000000e+00> : vector<1xf32>
      %reduce_sum3A_582 = vector.multi_reduction <add>, %reduce_sum3A_580, %reduce_sum3A_581 [1, 2] : vector<1x128x1xf32> to vector<1xf32>
      %reduce_sum3A_583 = vector.shape_cast %reduce_sum3A_582 : vector<1xf32> to vector<1x1x1xf32>
      %reduce_sum3A_584 = vector.extract %reduce_sum3A_583[0, 0, 0] : f32 from vector<1x1x1xf32>
      %jit3A_585 = arith.constant 0.000000e+00 : f32
      %broadcast_in_dim3A_586 = vector.broadcast %reduce_sum3A_584 : f32 to vector<1x128xf32>
      %broadcast_in_dim3A_587 = vector.broadcast %jit3A_585 : f32 to vector<1x128xf32>
      %select_n3A_588 = arith.select %eq3A_579, %broadcast_in_dim3A_586, %broadcast_in_dim3A_587 : vector<1x128xi1>, vector<1x128xf32>
      %add3A_589 = arith.addf %add3A_553, %select_n3A_588 : vector<1x128xf32>
      %lt3A_590 = arith.constant 3.000000e-01 : f32
      %lt3A_591 = vector.broadcast %lt3A_590 : f32 to vector<128x1xf32>
      %lt3A_592 = arith.cmpf olt, %broadcast_in_dim3A_60, %lt3A_591 : vector<128x1xf32>
      %and3A_593 = arith.andi %lt3A_592, %lt3A : vector<128x1xi1>
      %convert_element_type3A_594 = arith.extui %and3A_593 : vector<128x1xi1> to vector<128x1xi32>
      %add3A_595 = arith.addi %broadcast_in_dim3A_86, %convert_element_type3A_594 : vector<128x1xi32>
      %eq3A_596 = arith.constant 0 : i32
      %eq3A_597 = vector.broadcast %eq3A_596 : i32 to vector<128x1xi32>
      %eq3A_598 = arith.cmpi eq, %broadcast_in_dim3A_37, %eq3A_597 : vector<128x1xi32>
      %ge3A_599 = arith.constant 5 : i32
      %ge3A_600 = vector.broadcast %ge3A_599 : i32 to vector<128x1xi32>
      %ge3A_601 = arith.cmpi sge, %add3A_595, %ge3A_600 : vector<128x1xi32>
      %or3A_602 = arith.ori %eq3A_598, %ge3A_601 : vector<128x1xi1>
      %convert_element_type3A_603 = arith.sitofp %add3A_595 : vector<128x1xi32> to vector<128x1xf32>
      %add3A_604 = arith.constant 1.000000e+00 : f32
      %add3A_605 = vector.broadcast %add3A_604 : f32 to vector<128x1xf32>
      %add3A_606 = arith.addf %convert_element_type3A_603, %add3A_605 : vector<128x1xf32>
      %div3A_607 = arith.constant 1.000000e+00 : f32
      %div3A_608 = vector.broadcast %div3A_607 : f32 to vector<128x1xf32>
      %div3A_609 = arith.divf %div3A_608, %add3A_606 : vector<128x1xf32>
      %jit3A_610 = arith.constant 0.000000e+00 : f32
      %broadcast_in_dim3A_611 = vector.broadcast %jit3A_610 : f32 to vector<128x1xf32>
      %select_n3A_612 = arith.select %or3A_602, %broadcast_in_dim3A_611, %div3A_609 : vector<128x1xi1>, vector<128x1xf32>
      %eq3A_613 = arith.constant 14 : i32
      %eq3A_614 = vector.broadcast %eq3A_613 : i32 to vector<1x128xi32>
      %eq3A_615 = arith.cmpi eq, %iota3A_87, %eq3A_614 : vector<1x128xi32>
      %reduce_sum3A_616 = vector.shape_cast %select_n3A_612 : vector<128x1xf32> to vector<1x128x1xf32>
      %reduce_sum3A_617 = arith.constant dense<0.000000e+00> : vector<1xf32>
      %reduce_sum3A_618 = vector.multi_reduction <add>, %reduce_sum3A_616, %reduce_sum3A_617 [1, 2] : vector<1x128x1xf32> to vector<1xf32>
      %reduce_sum3A_619 = vector.shape_cast %reduce_sum3A_618 : vector<1xf32> to vector<1x1x1xf32>
      %reduce_sum3A_620 = vector.extract %reduce_sum3A_619[0, 0, 0] : f32 from vector<1x1x1xf32>
      %jit3A_621 = arith.constant 0.000000e+00 : f32
      %broadcast_in_dim3A_622 = vector.broadcast %reduce_sum3A_620 : f32 to vector<1x128xf32>
      %broadcast_in_dim3A_623 = vector.broadcast %jit3A_621 : f32 to vector<1x128xf32>
      %select_n3A_624 = arith.select %eq3A_615, %broadcast_in_dim3A_622, %broadcast_in_dim3A_623 : vector<1x128xi1>, vector<1x128xf32>
      %add3A_625 = arith.addf %add3A_589, %select_n3A_624 : vector<1x128xf32>
      %lt3A_626 = arith.constant 2.500000e-01 : f32
      %lt3A_627 = vector.broadcast %lt3A_626 : f32 to vector<128x1xf32>
      %lt3A_628 = arith.cmpf olt, %broadcast_in_dim3A_60, %lt3A_627 : vector<128x1xf32>
      %and3A_629 = arith.andi %lt3A_628, %lt3A : vector<128x1xi1>
      %convert_element_type3A_630 = arith.extui %and3A_629 : vector<128x1xi1> to vector<128x1xi32>
      %add3A_631 = arith.addi %broadcast_in_dim3A_86, %convert_element_type3A_630 : vector<128x1xi32>
      %eq3A_632 = arith.constant 0 : i32
      %eq3A_633 = vector.broadcast %eq3A_632 : i32 to vector<128x1xi32>
      %eq3A_634 = arith.cmpi eq, %broadcast_in_dim3A_37, %eq3A_633 : vector<128x1xi32>
      %ge3A_635 = arith.constant 5 : i32
      %ge3A_636 = vector.broadcast %ge3A_635 : i32 to vector<128x1xi32>
      %ge3A_637 = arith.cmpi sge, %add3A_631, %ge3A_636 : vector<128x1xi32>
      %or3A_638 = arith.ori %eq3A_634, %ge3A_637 : vector<128x1xi1>
      %convert_element_type3A_639 = arith.sitofp %add3A_631 : vector<128x1xi32> to vector<128x1xf32>
      %add3A_640 = arith.constant 1.000000e+00 : f32
      %add3A_641 = vector.broadcast %add3A_640 : f32 to vector<128x1xf32>
      %add3A_642 = arith.addf %convert_element_type3A_639, %add3A_641 : vector<128x1xf32>
      %div3A_643 = arith.constant 1.000000e+00 : f32
      %div3A_644 = vector.broadcast %div3A_643 : f32 to vector<128x1xf32>
      %div3A_645 = arith.divf %div3A_644, %add3A_642 : vector<128x1xf32>
      %jit3A_646 = arith.constant 0.000000e+00 : f32
      %broadcast_in_dim3A_647 = vector.broadcast %jit3A_646 : f32 to vector<128x1xf32>
      %select_n3A_648 = arith.select %or3A_638, %broadcast_in_dim3A_647, %div3A_645 : vector<128x1xi1>, vector<128x1xf32>
      %eq3A_649 = arith.constant 15 : i32
      %eq3A_650 = vector.broadcast %eq3A_649 : i32 to vector<1x128xi32>
      %eq3A_651 = arith.cmpi eq, %iota3A_87, %eq3A_650 : vector<1x128xi32>
      %reduce_sum3A_652 = vector.shape_cast %select_n3A_648 : vector<128x1xf32> to vector<1x128x1xf32>
      %reduce_sum3A_653 = arith.constant dense<0.000000e+00> : vector<1xf32>
      %reduce_sum3A_654 = vector.multi_reduction <add>, %reduce_sum3A_652, %reduce_sum3A_653 [1, 2] : vector<1x128x1xf32> to vector<1xf32>
      %reduce_sum3A_655 = vector.shape_cast %reduce_sum3A_654 : vector<1xf32> to vector<1x1x1xf32>
      %reduce_sum3A_656 = vector.extract %reduce_sum3A_655[0, 0, 0] : f32 from vector<1x1x1xf32>
      %jit3A_657 = arith.constant 0.000000e+00 : f32
      %broadcast_in_dim3A_658 = vector.broadcast %reduce_sum3A_656 : f32 to vector<1x128xf32>
      %broadcast_in_dim3A_659 = vector.broadcast %jit3A_657 : f32 to vector<1x128xf32>
      %select_n3A_660 = arith.select %eq3A_651, %broadcast_in_dim3A_658, %broadcast_in_dim3A_659 : vector<1x128xi1>, vector<1x128xf32>
      %add3A_661 = arith.addf %add3A_625, %select_n3A_660 : vector<1x128xf32>
      %lt3A_662 = arith.constant 2.000000e-01 : f32
      %lt3A_663 = vector.broadcast %lt3A_662 : f32 to vector<128x1xf32>
      %lt3A_664 = arith.cmpf olt, %broadcast_in_dim3A_60, %lt3A_663 : vector<128x1xf32>
      %and3A_665 = arith.andi %lt3A_664, %lt3A : vector<128x1xi1>
      %convert_element_type3A_666 = arith.extui %and3A_665 : vector<128x1xi1> to vector<128x1xi32>
      %add3A_667 = arith.addi %broadcast_in_dim3A_86, %convert_element_type3A_666 : vector<128x1xi32>
      %eq3A_668 = arith.constant 0 : i32
      %eq3A_669 = vector.broadcast %eq3A_668 : i32 to vector<128x1xi32>
      %eq3A_670 = arith.cmpi eq, %broadcast_in_dim3A_37, %eq3A_669 : vector<128x1xi32>
      %ge3A_671 = arith.constant 5 : i32
      %ge3A_672 = vector.broadcast %ge3A_671 : i32 to vector<128x1xi32>
      %ge3A_673 = arith.cmpi sge, %add3A_667, %ge3A_672 : vector<128x1xi32>
      %or3A_674 = arith.ori %eq3A_670, %ge3A_673 : vector<128x1xi1>
      %convert_element_type3A_675 = arith.sitofp %add3A_667 : vector<128x1xi32> to vector<128x1xf32>
      %add3A_676 = arith.constant 1.000000e+00 : f32
      %add3A_677 = vector.broadcast %add3A_676 : f32 to vector<128x1xf32>
      %add3A_678 = arith.addf %convert_element_type3A_675, %add3A_677 : vector<128x1xf32>
      %div3A_679 = arith.constant 1.000000e+00 : f32
      %div3A_680 = vector.broadcast %div3A_679 : f32 to vector<128x1xf32>
      %div3A_681 = arith.divf %div3A_680, %add3A_678 : vector<128x1xf32>
      %jit3A_682 = arith.constant 0.000000e+00 : f32
      %broadcast_in_dim3A_683 = vector.broadcast %jit3A_682 : f32 to vector<128x1xf32>
      %select_n3A_684 = arith.select %or3A_674, %broadcast_in_dim3A_683, %div3A_681 : vector<128x1xi1>, vector<128x1xf32>
      %eq3A_685 = arith.constant 16 : i32
      %eq3A_686 = vector.broadcast %eq3A_685 : i32 to vector<1x128xi32>
      %eq3A_687 = arith.cmpi eq, %iota3A_87, %eq3A_686 : vector<1x128xi32>
      %reduce_sum3A_688 = vector.shape_cast %select_n3A_684 : vector<128x1xf32> to vector<1x128x1xf32>
      %reduce_sum3A_689 = arith.constant dense<0.000000e+00> : vector<1xf32>
      %reduce_sum3A_690 = vector.multi_reduction <add>, %reduce_sum3A_688, %reduce_sum3A_689 [1, 2] : vector<1x128x1xf32> to vector<1xf32>
      %reduce_sum3A_691 = vector.shape_cast %reduce_sum3A_690 : vector<1xf32> to vector<1x1x1xf32>
      %reduce_sum3A_692 = vector.extract %reduce_sum3A_691[0, 0, 0] : f32 from vector<1x1x1xf32>
      %jit3A_693 = arith.constant 0.000000e+00 : f32
      %broadcast_in_dim3A_694 = vector.broadcast %reduce_sum3A_692 : f32 to vector<1x128xf32>
      %broadcast_in_dim3A_695 = vector.broadcast %jit3A_693 : f32 to vector<1x128xf32>
      %select_n3A_696 = arith.select %eq3A_687, %broadcast_in_dim3A_694, %broadcast_in_dim3A_695 : vector<1x128xi1>, vector<1x128xf32>
      %add3A_697 = arith.addf %add3A_661, %select_n3A_696 : vector<1x128xf32>
      %lt3A_698 = arith.constant 1.500000e-01 : f32
      %lt3A_699 = vector.broadcast %lt3A_698 : f32 to vector<128x1xf32>
      %lt3A_700 = arith.cmpf olt, %broadcast_in_dim3A_60, %lt3A_699 : vector<128x1xf32>
      %and3A_701 = arith.andi %lt3A_700, %lt3A : vector<128x1xi1>
      %convert_element_type3A_702 = arith.extui %and3A_701 : vector<128x1xi1> to vector<128x1xi32>
      %add3A_703 = arith.addi %broadcast_in_dim3A_86, %convert_element_type3A_702 : vector<128x1xi32>
      %eq3A_704 = arith.constant 0 : i32
      %eq3A_705 = vector.broadcast %eq3A_704 : i32 to vector<128x1xi32>
      %eq3A_706 = arith.cmpi eq, %broadcast_in_dim3A_37, %eq3A_705 : vector<128x1xi32>
      %ge3A_707 = arith.constant 5 : i32
      %ge3A_708 = vector.broadcast %ge3A_707 : i32 to vector<128x1xi32>
      %ge3A_709 = arith.cmpi sge, %add3A_703, %ge3A_708 : vector<128x1xi32>
      %or3A_710 = arith.ori %eq3A_706, %ge3A_709 : vector<128x1xi1>
      %convert_element_type3A_711 = arith.sitofp %add3A_703 : vector<128x1xi32> to vector<128x1xf32>
      %add3A_712 = arith.constant 1.000000e+00 : f32
      %add3A_713 = vector.broadcast %add3A_712 : f32 to vector<128x1xf32>
      %add3A_714 = arith.addf %convert_element_type3A_711, %add3A_713 : vector<128x1xf32>
      %div3A_715 = arith.constant 1.000000e+00 : f32
      %div3A_716 = vector.broadcast %div3A_715 : f32 to vector<128x1xf32>
      %div3A_717 = arith.divf %div3A_716, %add3A_714 : vector<128x1xf32>
      %jit3A_718 = arith.constant 0.000000e+00 : f32
      %broadcast_in_dim3A_719 = vector.broadcast %jit3A_718 : f32 to vector<128x1xf32>
      %select_n3A_720 = arith.select %or3A_710, %broadcast_in_dim3A_719, %div3A_717 : vector<128x1xi1>, vector<128x1xf32>
      %eq3A_721 = arith.constant 17 : i32
      %eq3A_722 = vector.broadcast %eq3A_721 : i32 to vector<1x128xi32>
      %eq3A_723 = arith.cmpi eq, %iota3A_87, %eq3A_722 : vector<1x128xi32>
      %reduce_sum3A_724 = vector.shape_cast %select_n3A_720 : vector<128x1xf32> to vector<1x128x1xf32>
      %reduce_sum3A_725 = arith.constant dense<0.000000e+00> : vector<1xf32>
      %reduce_sum3A_726 = vector.multi_reduction <add>, %reduce_sum3A_724, %reduce_sum3A_725 [1, 2] : vector<1x128x1xf32> to vector<1xf32>
      %reduce_sum3A_727 = vector.shape_cast %reduce_sum3A_726 : vector<1xf32> to vector<1x1x1xf32>
      %reduce_sum3A_728 = vector.extract %reduce_sum3A_727[0, 0, 0] : f32 from vector<1x1x1xf32>
      %jit3A_729 = arith.constant 0.000000e+00 : f32
      %broadcast_in_dim3A_730 = vector.broadcast %reduce_sum3A_728 : f32 to vector<1x128xf32>
      %broadcast_in_dim3A_731 = vector.broadcast %jit3A_729 : f32 to vector<1x128xf32>
      %select_n3A_732 = arith.select %eq3A_723, %broadcast_in_dim3A_730, %broadcast_in_dim3A_731 : vector<1x128xi1>, vector<1x128xf32>
      %add3A_733 = arith.addf %add3A_697, %select_n3A_732 : vector<1x128xf32>
      %lt3A_734 = arith.constant 1.000000e-01 : f32
      %lt3A_735 = vector.broadcast %lt3A_734 : f32 to vector<128x1xf32>
      %lt3A_736 = arith.cmpf olt, %broadcast_in_dim3A_60, %lt3A_735 : vector<128x1xf32>
      %and3A_737 = arith.andi %lt3A_736, %lt3A : vector<128x1xi1>
      %convert_element_type3A_738 = arith.extui %and3A_737 : vector<128x1xi1> to vector<128x1xi32>
      %add3A_739 = arith.addi %broadcast_in_dim3A_86, %convert_element_type3A_738 : vector<128x1xi32>
      %eq3A_740 = arith.constant 0 : i32
      %eq3A_741 = vector.broadcast %eq3A_740 : i32 to vector<128x1xi32>
      %eq3A_742 = arith.cmpi eq, %broadcast_in_dim3A_37, %eq3A_741 : vector<128x1xi32>
      %ge3A_743 = arith.constant 5 : i32
      %ge3A_744 = vector.broadcast %ge3A_743 : i32 to vector<128x1xi32>
      %ge3A_745 = arith.cmpi sge, %add3A_739, %ge3A_744 : vector<128x1xi32>
      %or3A_746 = arith.ori %eq3A_742, %ge3A_745 : vector<128x1xi1>
      %convert_element_type3A_747 = arith.sitofp %add3A_739 : vector<128x1xi32> to vector<128x1xf32>
      %add3A_748 = arith.constant 1.000000e+00 : f32
      %add3A_749 = vector.broadcast %add3A_748 : f32 to vector<128x1xf32>
      %add3A_750 = arith.addf %convert_element_type3A_747, %add3A_749 : vector<128x1xf32>
      %div3A_751 = arith.constant 1.000000e+00 : f32
      %div3A_752 = vector.broadcast %div3A_751 : f32 to vector<128x1xf32>
      %div3A_753 = arith.divf %div3A_752, %add3A_750 : vector<128x1xf32>
      %jit3A_754 = arith.constant 0.000000e+00 : f32
      %broadcast_in_dim3A_755 = vector.broadcast %jit3A_754 : f32 to vector<128x1xf32>
      %select_n3A_756 = arith.select %or3A_746, %broadcast_in_dim3A_755, %div3A_753 : vector<128x1xi1>, vector<128x1xf32>
      %eq3A_757 = arith.constant 18 : i32
      %eq3A_758 = vector.broadcast %eq3A_757 : i32 to vector<1x128xi32>
      %eq3A_759 = arith.cmpi eq, %iota3A_87, %eq3A_758 : vector<1x128xi32>
      %reduce_sum3A_760 = vector.shape_cast %select_n3A_756 : vector<128x1xf32> to vector<1x128x1xf32>
      %reduce_sum3A_761 = arith.constant dense<0.000000e+00> : vector<1xf32>
      %reduce_sum3A_762 = vector.multi_reduction <add>, %reduce_sum3A_760, %reduce_sum3A_761 [1, 2] : vector<1x128x1xf32> to vector<1xf32>
      %reduce_sum3A_763 = vector.shape_cast %reduce_sum3A_762 : vector<1xf32> to vector<1x1x1xf32>
      %reduce_sum3A_764 = vector.extract %reduce_sum3A_763[0, 0, 0] : f32 from vector<1x1x1xf32>
      %jit3A_765 = arith.constant 0.000000e+00 : f32
      %broadcast_in_dim3A_766 = vector.broadcast %reduce_sum3A_764 : f32 to vector<1x128xf32>
      %broadcast_in_dim3A_767 = vector.broadcast %jit3A_765 : f32 to vector<1x128xf32>
      %select_n3A_768 = arith.select %eq3A_759, %broadcast_in_dim3A_766, %broadcast_in_dim3A_767 : vector<1x128xi1>, vector<1x128xf32>
      %add3A_769 = arith.addf %add3A_733, %select_n3A_768 : vector<1x128xf32>
      %lt3A_770 = arith.constant 5.000000e-02 : f32
      %lt3A_771 = vector.broadcast %lt3A_770 : f32 to vector<128x1xf32>
      %lt3A_772 = arith.cmpf olt, %broadcast_in_dim3A_60, %lt3A_771 : vector<128x1xf32>
      %and3A_773 = arith.andi %lt3A_772, %lt3A : vector<128x1xi1>
      %convert_element_type3A_774 = arith.extui %and3A_773 : vector<128x1xi1> to vector<128x1xi32>
      %add3A_775 = arith.addi %broadcast_in_dim3A_86, %convert_element_type3A_774 : vector<128x1xi32>
      %eq3A_776 = arith.constant 0 : i32
      %eq3A_777 = vector.broadcast %eq3A_776 : i32 to vector<128x1xi32>
      %eq3A_778 = arith.cmpi eq, %broadcast_in_dim3A_37, %eq3A_777 : vector<128x1xi32>
      %ge3A_779 = arith.constant 5 : i32
      %ge3A_780 = vector.broadcast %ge3A_779 : i32 to vector<128x1xi32>
      %ge3A_781 = arith.cmpi sge, %add3A_775, %ge3A_780 : vector<128x1xi32>
      %or3A_782 = arith.ori %eq3A_778, %ge3A_781 : vector<128x1xi1>
      %convert_element_type3A_783 = arith.sitofp %add3A_775 : vector<128x1xi32> to vector<128x1xf32>
      %add3A_784 = arith.constant 1.000000e+00 : f32
      %add3A_785 = vector.broadcast %add3A_784 : f32 to vector<128x1xf32>
      %add3A_786 = arith.addf %convert_element_type3A_783, %add3A_785 : vector<128x1xf32>
      %div3A_787 = arith.constant 1.000000e+00 : f32
      %div3A_788 = vector.broadcast %div3A_787 : f32 to vector<128x1xf32>
      %div3A_789 = arith.divf %div3A_788, %add3A_786 : vector<128x1xf32>
      %jit3A_790 = arith.constant 0.000000e+00 : f32
      %broadcast_in_dim3A_791 = vector.broadcast %jit3A_790 : f32 to vector<128x1xf32>
      %select_n3A_792 = arith.select %or3A_782, %broadcast_in_dim3A_791, %div3A_789 : vector<128x1xi1>, vector<128x1xf32>
      %eq3A_793 = arith.constant 19 : i32
      %eq3A_794 = vector.broadcast %eq3A_793 : i32 to vector<1x128xi32>
      %eq3A_795 = arith.cmpi eq, %iota3A_87, %eq3A_794 : vector<1x128xi32>
      %reduce_sum3A_796 = vector.shape_cast %select_n3A_792 : vector<128x1xf32> to vector<1x128x1xf32>
      %reduce_sum3A_797 = arith.constant dense<0.000000e+00> : vector<1xf32>
      %reduce_sum3A_798 = vector.multi_reduction <add>, %reduce_sum3A_796, %reduce_sum3A_797 [1, 2] : vector<1x128x1xf32> to vector<1xf32>
      %reduce_sum3A_799 = vector.shape_cast %reduce_sum3A_798 : vector<1xf32> to vector<1x1x1xf32>
      %reduce_sum3A_800 = vector.extract %reduce_sum3A_799[0, 0, 0] : f32 from vector<1x1x1xf32>
      %jit3A_801 = arith.constant 0.000000e+00 : f32
      %broadcast_in_dim3A_802 = vector.broadcast %reduce_sum3A_800 : f32 to vector<1x128xf32>
      %broadcast_in_dim3A_803 = vector.broadcast %jit3A_801 : f32 to vector<1x128xf32>
      %select_n3A_804 = arith.select %eq3A_795, %broadcast_in_dim3A_802, %broadcast_in_dim3A_803 : vector<1x128xi1>, vector<1x128xf32>
      %add3A_805 = arith.addf %add3A_769, %select_n3A_804 : vector<1x128xf32>
      %eq3A_806 = arith.constant 0 : i32
      %eq3A_807 = arith.cmpi eq, %arg0, %eq3A_806 : i32
      %get3A_808 = arith.constant 0 : index
      %get3A_809 = arith.constant 0 : index
      %get3A_810 = vector.load %arg11[%get3A_808, %get3A_809] : memref<1x128xf32, #tpu.memory_space<vmem>>, vector<1x128xf32>
      %add3A_811 = arith.addf %get3A_810, %add3A_805 : vector<1x128xf32>
      %select_n3A_812 = arith.select %eq3A_807, %add3A_805, %add3A_811 : vector<1x128xf32>
      %swap3A_813 = arith.constant 0 : index
      %swap3A_814 = arith.constant 0 : index
      %swap3A_815 = vector.load %arg11[%swap3A_813, %swap3A_814] : memref<1x128xf32, #tpu.memory_space<vmem>>, vector<1x128xf32>
      tpu.vector_store %arg11[%swap3A_813, %swap3A_814], %select_n3A_812 {strides = array<i32>} : memref<1x128xf32, #tpu.memory_space<vmem>>, vector<1x128xf32>,
      %eq3A_816 = arith.constant 31 : i32
      %eq3A_817 = arith.cmpi eq, %arg0, %eq3A_816 : i32
      %convert_element_type3A_818 = arith.extui %eq3A_817 : i1 to i32
      %cond3A_819 = arith.constant 0 : i32
      %cond3A_820 = arith.cmpi ne, %convert_element_type3A_818, %cond3A_819 : i32
      scf.if %cond3A_820 {
        %lt3A_821 = arith.constant 20 : i32
        %lt3A_822 = vector.broadcast %lt3A_821 : i32 to vector<1x128xi32>
        %lt3A_823 = arith.cmpi slt, %iota3A_87, %lt3A_822 : vector<1x128xi32>
        %get3A_824 = arith.constant 0 : index
        %get3A_825 = arith.constant 0 : index
        %get3A_826 = vector.load %arg11[%get3A_824, %get3A_825] : memref<1x128xf32, #tpu.memory_space<vmem>>, vector<1x128xf32>
        %div3A_827 = arith.constant 4.096000e+03 : f32
        %div3A_828 = vector.broadcast %div3A_827 : f32 to vector<1x128xf32>
        %div3A_829 = arith.divf %get3A_826, %div3A_828 : vector<1x128xf32>
        %jit3A_830 = arith.constant -1.000000e+30 : f32
        %broadcast_in_dim3A_831 = vector.broadcast %jit3A_830 : f32 to vector<1x128xf32>
        %select_n3A_832 = arith.select %lt3A_823, %div3A_829, %broadcast_in_dim3A_831 : vector<1x128xi1>, vector<1x128xf32>
        %reduce_max3A_833 = vector.shape_cast %select_n3A_832 : vector<1x128xf32> to vector<1x1x128xf32>
        %reduce_max3A_834 = arith.constant dense<0xFF800000> : vector<1xf32>
        %reduce_max3A_835 = vector.multi_reduction <maximumf>, %reduce_max3A_833, %reduce_max3A_834 [1, 2] : vector<1x1x128xf32> to vector<1xf32>
        %reduce_max3A_836 = vector.shape_cast %reduce_max3A_835 : vector<1xf32> to vector<1x1x1xf32>
        %reduce_max3A_837 = vector.extract %reduce_max3A_836[0, 0, 0] : f32 from vector<1x1x1xf32>
        %broadcast_in_dim3A_838 = vector.broadcast %reduce_max3A_837 : f32 to vector<8x128xf32>
        %swap3A_839 = arith.constant 0 : index
        %swap3A_840 = arith.constant 0 : index
        %swap3A_841 = vector.load %arg8[%swap3A_839, %swap3A_840] : memref<8x128xf32, #tpu.memory_space<vmem>>, vector<8x128xf32>
        tpu.vector_store %arg8[%swap3A_839, %swap3A_840], %broadcast_in_dim3A_838 {strides = array<i32>} : memref<8x128xf32, #tpu.memory_space<vmem>>, vector<8x128xf32>,
      } else {
      }
    } else {
    }
    return
  }
  func.func @transform_0(%arg0: i32, %arg1: i32) -> (i32, i32) {
    %c0_i32 = arith.constant 0 : i32
    %c0_i32_0 = arith.constant 0 : i32
    %c0_i32_1 = arith.constant 0 : i32
    return %c0_i32, %c0_i32_0 : i32, i32
  }
  func.func @transform_1(%arg0: i32, %arg1: i32) -> (i32, i32, i32) {
    %c0_i32 = arith.constant 0 : i32
    %c0_i32_0 = arith.constant 0 : i32
    %c0_i32_1 = arith.constant 0 : i32
    return %arg1, %c0_i32, %c0_i32_0 : i32, i32, i32
  }
  func.func @transform_2(%arg0: i32, %arg1: i32) -> (i32, i32, i32) {
    %c0_i32 = arith.constant 0 : i32
    %c0_i32_0 = arith.constant 0 : i32
    %c0_i32_1 = arith.constant 0 : i32
    return %arg0, %c0_i32, %c0_i32_0 : i32, i32, i32
  }
  func.func @transform_3(%arg0: i32, %arg1: i32) -> (i32, i32, i32) {
    %c0_i32 = arith.constant 0 : i32
    %c0_i32_0 = arith.constant 0 : i32
    %c0_i32_1 = arith.constant 0 : i32
    return %arg0, %c0_i32, %c0_i32_0 : i32, i32, i32
  }
  func.func @transform_4(%arg0: i32, %arg1: i32) -> (i32, i32) {
    %c0_i32 = arith.constant 0 : i32
    %c0_i32_0 = arith.constant 0 : i32
    return %arg0, %c0_i32 : i32, i32
  }
  func.func @transform_5(%arg0: i32, %arg1: i32) -> (i32, i32) {
    %c0_i32 = arith.constant 0 : i32
    %c0_i32_0 = arith.constant 0 : i32
    return %arg1, %c0_i32 : i32, i32
  }
  func.func @transform_6(%arg0: i32, %arg1: i32) -> (i32, i32) {
    %c0_i32 = arith.constant 0 : i32
    %c0_i32_0 = arith.constant 0 : i32
    %c0_i32_1 = arith.constant 0 : i32
    return %c0_i32, %c0_i32_0 : i32, i32
  }
}

</mosaic_0001>

<sc_bundles>
// kernel: gather_offload_async_start.1
scs
__scs_entry_jumppad:
0x0: {  	(pc) =	sbr.rel $0x88, $3  }
0x1: {  	(tag) =	ssettag $0x0;
	lr =	simm.s32 $0x1  }
0x2: {  	[smem:$0x3F9F] =	sst lr;
	_ =	strace $0xD0000000  }
0x3: {  	_ = 	snop  }
0x4: {  	_ = 	snop  }
0x5: {  	_ = 	snop  }
0x6: {  	_ = 	snop  }
0x7: {  	_ = 	snop  }
__scs_overlays_trampoline_lowered:
0x8: {  	[smem:$0x3FAE] =	sst s0  }
0x9: {  	[smem:$0x3FAF] =	sst s1  }
0xa: {  	[smem:$0x3FB0] =	sst s2  }
0xb: {  	[smem:$0x3FB1] =	sst s3  }
0xc: {  	[smem:$0x3FB2] =	sst s4  }
0xd: {  	[smem:$0x3FB3] =	sst s5  }
0xe: {  	[smem:$0x3FB4] =	sst s6  }
0xf: {  	[smem:$0x3FB5] =	sst s7  }
0x10: {  	[smem:$0x3FB6] =	sst s8  }
0x11: {  	[smem:$0x3FB7] =	sst s9;
	s0 =	simm.s32 @!p0 $0x0  }
0x12: {  	s1 =	sld [smem:$0x3F9D];
	s0 =	simm.s32 @p0 $0x1  }
0x13: {  	[smem:$0x3FB8] =	sst s0;
	s0 =	simm.s32 @!p1 $0x0  }
0x14: {  	s2 =	sld [smem:$0x3F9C];
	s0 =	simm.s32 @p1 $0x1  }
0x15: {  	[smem:$0x3FB9] =	sst s0;
	s0 =	simm.s32 @!p2 $0x0  }
0x16: {  	s3 =	sld [smem:$0x3FDB];
	s0 =	simm.s32 @p2 $0x1  }
0x17: {  	s4 =	simm.s32 $0x1BF5;
	[smem:$0x3FBB] =	sst s0  }
0x18: {  	s0 =	sld [smem:$0x3F9E];
	_ =	swait.ge [sflag:s4], $0x0  }
0x19: {  	s7 =	sld [smem:$0x3F9F]  }
0x1a: {  	s8 =	sadd.s32 $0xFFFFE003, lr  }
0x1b: {  	s9 =	sadd.s32 $0xFFFFFEF7, lr;
	s5 =	simm.s32 $0xFFFFFFFF;
	p2 =	slt.u32 s8, $0xFFFFF086  }
0x1c: {  	p1 =	slt.u32 s9, $0xF7A;
	s5 =	simm.s32 @!p2 $0x0  }
0x1d: {  	s5 =	simm.s32 @p1 $0x1;
	p0 =	seq.s32 s7, s2  }
0x1e: {  	s7 =	smul.u32 @!p0 $0xF7A, s2;
	p2 =	seq.s32 @!p0 s5, $0x0  }
0x1f: {  	s9 =	smul.u32 $0xF7A, s1;
	s8 =	simm.s32 @!p0 $0x1BF5;
	p2 =	por !p2, p0  }
0x20: {  	[sflag:s8] =	ssyncset.s32 @!p0 $0xFFFFF086;
	s6 =	sadd.s32 @!p0 s3, s7;
	s7 =	simm.s32 @!p0 $0x108  }
0x21: {  	s3 =	sadd.s32 s3, s9;
	s6 =	sadd.s32 @!p0 $0x88, s6;
	s7 =	simm.s32 @p2 $0x1082  }
0x22: {  	[simem:s7], [sflag:s8] =	dma.local @!p0 [hbm:s6], $0xF7A  }
0x23: {  	s9 =	sor.u32 $0xD0000000, s2;
	s6 =	simm.s32 $0x108;
	_ =	swait.ge @!p0 [sflag:s8], $0x0  }
0x24: {  	s3 =	sadd.s32 $0x88, s3;
	s6 =	simm.s32 @!p1 $0x1082;
	[sflag:s4] =	ssyncset.s32 $0xFFFFF086  }
0x25: {  	[simem:s6], [sflag:s4] =	dma.local [hbm:s3], $0xF7A  }
0x26: {  	[smem:$0x3F9F] =	sst s1;
	(tag) =	ssettag s2;
	_ =	strace s9  }
0x27: {  	s1 =	sld [smem:$0x3FAF]  }
0x28: {  	s2 =	sld [smem:$0x3FB0]  }
0x29: {  	s4 =	sld [smem:$0x3FB2]  }
0x2a: {  	p0 =	seq.s32 s5, $0x0;
	s5 =	sld [smem:$0x3FB3]  }
0x2b: {  	s6 =	sld [smem:$0x3FB4]  }
0x2c: {  	s7 =	sld [smem:$0x3FB5]  }
0x2d: {  	s3 =	simm.s32 $0x108;
	s8 =	sld [smem:$0x3FB6]  }
0x2e: {  	s3 =	simm.s32 @!p0 $0x1082;
	s9 =	sld [smem:$0x3FB7]  }
0x2f: {  	lr =	sadd.s32 s0, s3;
	s0 =	sld [smem:$0x3FAE]  }
0x30: {  	s3 =	sld [smem:$0x3FB1]  }
0x31: {  	[smem:$0x3FBA] =	sst s10  }
0x32: {  	s10 =	sld [smem:$0x3FB8];
	_ =	sdelay $0x3  }
0x33: {  	p0 =	seq.s32 s10, $0x1;
	s10 =	sld [smem:$0x3FBA];
	_ =	sdelay $0x3  }
0x34: {  	[smem:$0x3FBA] =	sst s10  }
0x35: {  	s10 =	sld [smem:$0x3FB9];
	_ =	sdelay $0x3  }
0x36: {  	p1 =	seq.s32 s10, $0x1;
	s10 =	sld [smem:$0x3FBA];
	_ =	sdelay $0x3  }
0x37: {  	[smem:$0x3FBA] =	sst s10  }
0x38: {  	s10 =	sld [smem:$0x3FBB]  }
0x39: {  	_ = 	snop;
	(pc) =	sbr.ind lr, $3  }
0x3a: {  	_ = 	snop  }
0x3b: {  	_ = 	snop  }
0x3c: {  	p2 =	seq.s32 s10, $0x1;
	s10 =	sld [smem:$0x3FBA]  }
0x3d: {  	_ =	shalt  }
0x3e: {  	_ =	shalt  }
0x3f: {  	_ =	shalt  }
0x40: {  	_ =	shalt  }
0x41: {  	_ =	shalt  }
0x42: {  	_ =	shalt  }
0x43: {  	_ =	shalt  }
0x44: {  	_ =	shalt  }
0x45: {  	_ =	shalt  }
0x46: {  	_ =	shalt  }
0x47: {  	_ =	shalt  }
0x48: {  	_ =	shalt  }
0x49: {  	_ =	shalt  }
0x4a: {  	_ =	shalt  }
0x4b: {  	_ =	shalt  }
0x4c: {  	_ =	shalt  }
0x4d: {  	_ =	shalt  }
0x4e: {  	_ =	shalt  }
0x4f: {  	_ =	shalt  }
0x50: {  	_ =	shalt  }
0x51: {  	_ =	shalt  }
0x52: {  	_ =	shalt  }
0x53: {  	_ =	shalt  }
0x54: {  	_ =	shalt  }
0x55: {  	_ =	shalt  }
0x56: {  	_ =	shalt  }
0x57: {  	_ =	shalt  }
0x58: {  	_ =	shalt  }
0x59: {  	_ =	shalt  }
0x5a: {  	_ =	shalt  }
0x5b: {  	_ =	shalt  }
0x5c: {  	_ =	shalt  }
0x5d: {  	_ =	shalt  }
0x5e: {  	_ =	shalt  }
0x5f: {  	_ =	shalt  }
0x60: {  	_ =	shalt  }
0x61: {  	_ =	shalt  }
0x62: {  	_ =	shalt  }
0x63: {  	_ =	shalt  }
0x64: {  	_ =	shalt  }
0x65: {  	_ =	shalt  }
0x66: {  	_ =	shalt  }
0x67: {  	_ =	shalt  }
0x68: {  	_ =	shalt  }
0x69: {  	_ =	shalt  }
0x6a: {  	_ =	shalt  }
0x6b: {  	_ =	shalt  }
0x6c: {  	_ =	shalt  }
0x6d: {  	_ =	shalt  }
0x6e: {  	_ =	shalt  }
0x6f: {  	_ =	shalt  }
0x70: {  	_ =	shalt  }
0x71: {  	_ =	shalt  }
0x72: {  	_ =	shalt  }
0x73: {  	_ =	shalt  }
0x74: {  	_ =	shalt  }
0x75: {  	_ =	shalt  }
0x76: {  	_ =	shalt  }
0x77: {  	_ =	shalt  }
0x78: {  	_ =	shalt  }
0x79: {  	_ =	shalt  }
0x7a: {  	_ =	shalt  }
0x7b: {  	_ =	shalt  }
0x7c: {  	_ =	shalt  }
0x7d: {  	_ =	shalt  }
0x7e: {  	_ =	shalt  }
0x7f: {  	_ =	shalt  }
0x80: {  	_ =	shalt  }
0x81: {  	_ =	shalt  }
0x82: {  	_ =	shalt  }
0x83: {  	_ =	shalt  }
0x84: {  	_ =	shalt  }
0x85: {  	_ =	shalt  }
0x86: {  	_ =	shalt  }
0x87: {  	_ =	shalt  }
.Lfunc_end0:
.L_simem_size_0:
called_computation.1_lowered:
.L_overlay_start_0:
0x88: {  	s2 =	sld [smem:$0x3FD9]  }
0x89: {  	s3 =	sld [smem:$0x3FFE];
	_ =	sdelay $0x1  }
0x8a: {  	s1 =	srdreg.scid  }
0x8b: {  	s0 =	sand.u32 $0x1, s1  }
0x8c: {  	s17 =	sshll.u32 s0, $0xA;
	s2 =	sadd.s32 s3, s2  }
0x8d: {  	s2 =	sadd.s32 s2, s17  }
0x8e: {  	[smem:$0x3FC6] =	sst s2  }
0x8f: {  	_ = 	snop  }
0x90: {  	s18 =	sld [smem:$0x3FC8];
	(tm) =	ssettm $0x1  }
0x91: {  	s19 =	sld [smem:$0x3FFB];
	_ =	sdelay $0x3  }
0x92: {  	_ =	strace s19  }
0x93: {  	s2 =	sld [smem:$0x3FFC];
	_ =	sdelay $0x3  }
0x94: {  	_ =	strace s2  }
0x95: {  	s2 =	sld [smem:$0x3FFD];
	_ =	sdelay $0x3  }
0x96: {  	_ =	strace s2  }
0x97: {  	_ =	strace $0x8FFFFFFF  }
0x98: {  	s20 =	sld [smem:$0x3FDB];
	_ =	sdelay $0x1  }
0x99: {  	s4 =	simm.s32 $_scs_section_size  }
0x9a: {  	s5 =	simm.s32 $_size__tile_overlayer_lowered;
	s6 =	simm.s32 $_tile_overlayer_lowered  }
0x9b: {  	s7 =	simm.s32 $0x1BFF;
	s21 =	sshll.u32 s6, $0x1;
	s4 =	sadd.s32 s4, s20  }
0x9c: {  	s22 =	simm.s32 $0x0;
	s5 =	sshll.u32 s5, $0x1;
	s6 =	sadd.s32 s21, s4  }
0x9d: {  	[timem:s22], [sflag:s7] =	dma.local [hbm:s6], s5  }
0x9e: {  	_ =	swait.ge [sflag:s7], s5  }
0x9f: {  	s5 =	ssub.s32 $0x0, s5;
	[sflag:s7] =	ssyncset.done $0x0  }
0xa0: {  	[sflag:s7] =	ssyncadd.s32 s5;
	_ =	sdelay $0x1  }
0xa1: {  	s23 =	simm.s32 $0x1B8B  }
0xa2: {  	_ =	swait.ge [sflag:s23], $0x1  }
0xa3: {  	[sflag:s23] =	ssyncset.done $0x0  }
0xa4: {  	[sflag:s23] =	ssyncadd.s32 $0xFFFFFFFF  }
0xa5: {  	s5 =	sld [smem:$0x0]  }
0xa6: {  	s6 =	sand.u32 $0xFFFFFFFE, s1  }
0xa7: {  	p0 =	sne.s32 s1, s6  }
0xa8: {  	s6 =	sshll.u32 @p0 s6, $0xE  }
0xa9: {  	s6 =	sadd.s32 @p0 $0x11B8D, s6;
	s7 =	sshll.u32 @p0 s5, $0x11  }
0xaa: {  	s6 =	sor.u32 @p0 s7, s6  }
0xab: {  	[sflag:s6] =	ssyncadd.remote.s32 @p0 $0x1;
	_ =	sdelay $0x1  }
0xac: {  	s6 =	simm.s32 @p0 $0x1B8D  }
0xad: {  	_ =	swait.eq @p0 [sflag:s6], $0x1  }
0xae: {  	[sflag:s6] =	ssyncadd.s32 @p0 $0xFFFFFFFF  }
0xaf: {  	s7 =	sshll.u32 @!p0 s1, $0xE  }
0xb0: {  	s7 =	sor.u32 @!p0 $0x4000, s7;
	s6 =	simm.s32 @!p0 $0x1B8D  }
0xb1: {  	s5 =	sshll.u32 @!p0 s5, $0x11;
	s7 =	sadd.s32 @!p0 $0x11B8D, s7;
	_ =	swait.eq @!p0 [sflag:s6], $0x1  }
0xb2: {  	s5 =	sor.u32 @!p0 s5, s7;
	[sflag:s6] =	ssyncadd.s32 @!p0 $0xFFFFFFFF  }
0xb3: {  	s25 =	simm.s32 $0x1B8E;
	s24 =	sld [smem:$0x3FFE];
	[sflag:s5] =	ssyncadd.remote.s32 @!p0 $0x1  }
0xb4: {  	s26 =	simm.s32 $execute0_lowered;
	[smem:$0x3FD2] =	sst s25  }
0xb5: {  	s6 =	sshll.u32 s26, $0x1;
	_ =	strace $0x80000049;
	[dreg:$0x1] =	wrdreg $0xFFFFFFFF  }
0xb6: {  	s28 =	simm.s32 $_size_execute0_lowered;
	s4 =	sadd.s32 s4, s6;
	[dreg:$0x0] =	wrdreg $0x0  }
0xb7: {  	s6 =	sshll.u32 s28, $0x1;
	[dreg:$0x2] =	wrdreg s4  }
0xb8: {  	[dreg:$0x3] =	wrdreg s6  }
0xb9: {  	[dreg:$0x4] =	wrdreg $0xC0  }
0xba: {  	_ =	task [dreg:s22], $0x5FFFF  }
0xbb: {  	[dreg:$0x1] =	wrdreg $0xFFFFFFFF  }
0xbc: {  	[dreg:$0x0] =	wrdreg $0x60  }
0xbd: {  	[dreg:$0x2] =	wrdreg s18  }
0xbe: {  	[dreg:$0x3] =	wrdreg s24  }
0xbf: {  	[dreg:$0x4] =	wrdreg $0xA  }
0xc0: {  	_ =	task.clear_ibuf [dreg:s22], $0x5FFFF;
	_ =	strace $0x90000049  }
0xc1: {  	s29 =	simm.s32 $0xA;
	_ =	strace $0x8000004B  }
0xc2: {  	_ =	swait.ge [sflag:s29], $0x1  }
0xc3: {  	[sflag:s29] =	ssyncadd.s32 $0xFFFFFFFF  }
0xc4: {  	_ =	strace $0x9000004B  }
0xc5: {  	_ =	sfence  }
0xc6: {  	s30 =	sld [smem:$0x0];
	_ =	sdelay $0x2  }
0xc7: {  	s31 =	sshll.u32 s1, $0xD;
	s1 =	sshrl.u32 s1, $0x2  }
0xc8: {  	s4 =	sand.u32 $0x4000, s31;
	s1 =	sadd.s32 s1, s30  }
0xc9: {  	s0 =	sor.u32 s4, s0;
	s1 =	sshll.u32 s1, $0x11  }
0xca: {  	s0 =	sor.u32 s1, s0  }
0xcb: {  	s0 =	sadd.s32 $0x8F2B, s0  }
0xcc: {  	[sflag:s0] =	ssyncadd.remote.s32 $0x1  }
0xcd: {  	_ =	sfence.sel $0xFFFF  }
0xce: {  	[dreg:$0x0] =	wrdreg $0xFFFFFFFF;
	(pc) =	sbr.abs _section_cstart, $3  }
0xcf: {  	[dreg:$0x1] =	wrdreg $0xFFFFFFFF  }
0xd0: {  	_ =	task.clear_ibuf [dreg:s22], $0x2FFFF;
	_ =	strace $0x9FFFFFFF  }
0xd1: {  	(tm) =	ssettm $0x7FFFFFFF  }
tec
execute0_lowered:
.L_overlay_start_1:
0x0: {  	(tag) =	ssettag $0x1  }
0x1: {  	s2 =	rddreg [dreg:$0x0]  }
0x2: {  	s7 =	rddreg [dreg:$0x1]  }
0x3: {  	s0 =	rddreg [dreg:$0x2]  }
0x4: {  	s1 =	srdreg.scid;
	_ =	strace $0x8000004A;
	s4 =	simm.s32 $0x1  }
0x5: {  	s9 =	simm.s32 $0x3;
	s11 =	simm.s32 $0x0;
	s5 =	sshll.u32 s1, $0x4  }
.Ltmp0:
0x6: {  	s1 =	stileid.u32;
	s5 =	sand.u32 $0x10, s5;
	(pc) =	sbr.rel .LBB2_1-.Ltmp0, $4  }
0x7: {  	p0 =	por $0x0, $0x0;
	s3 =	sadd.s32 $0xC00, s7;
	s6 =	sor.u32 s1, s5  }
0x8: {  	[sflag:s4] =	ssyncpa.u1 $0x0;
	s5 =	simm.s32 $0x2;
	s6 =	sshll.u32 s6, $0x7  }
0x9: {  	s7 =	sadd.s32 $0x1000, s7;
	[sflag:s5] =	ssyncpa.u1 $0x0;
	s8 =	sadd.s32 $0x80, s6  }
0xa: {  	vm0 =	vmmov $0xff;
	vm1 =	vcmask $0x3F20;
	[sflag:s9] =	ssyncpa.u1 $0x0;
	s10 =	smov.u32 s6;
	s9 =	simm.s32 $0x0  }
.LBB2_9:
0xb: {  	p1 =	slt.u32 s9, $0x2;
	s11 =	sadd.s32 $0x20, s10  }
0xc: {  	s13 =	smov.u32 s6;
	s9 =	sadd.s32 $0x1, s9;
	p2 =	slt.s32 s11, s8  }
0xd: {  	s13 =	smov.u32 @p2 s11;
	p2 =	sne.s32 s9, $0x6  }
.Ltmp1:
0xe: {  	_ = 	snop;
	(pc) =	sbr.rel @!p2 .LBB2_10-.Ltmp1, $4  }
0xf: {  	s12 =	simm.s32 @!p1 $0x3  }
0x10: {  	_ =	swait.ge @!p1 [sflag:s12], $0x8000  }
0x11: {  	p0 =	por !p0, !p0;
	[sflag:s12] =	ssyncset.done @!p1 $0x0  }
0x12: {  	s11 =	smov.u32 s10;
	s10 =	smov.u32 s13;
	[sflag:s12] =	ssyncadd.s32 @!p1 $0xFFFF8000  }
.LBB2_1:
0x13: {  	p1 =	sgt.u32 s9, $0x3  }
0x14: {  	s12 =	sxor.u32 @!p1 $0xFFFFFFFF, s9  }
0x15: {  	s13 =	sshrl.u32 @!p1 s10, $0x3;
	s12 =	sshll.u32 @!p1 s12, $0x5  }
0x16: {  	s14 =	sand.u32 @!p1 $0x7, s10;
	s13 =	sadd.s32 @!p1 s3, s13;
	s12 =	sand.u32 @!p1 $0x20, s12  }
0x17: {  	[tilespmem:s12], [sflag:$0x2] =	stream.linear.gather @!p1 [hbm4b:s13+s14], $0x20, $0x38;
	[tilespmem:$0x10040] =	vst v63  }
0x18: {  	p1 =	seq.s32 s9, $0x0  }
0x19: {  	p2 =	seq.s32 @!p1 s9, $0x5  }
0x1a: {  	p1 =	por p1, p2  }
.Ltmp2:
0x1b: {  	_ = 	snop;
	(pc) =	sbr.rel @p1 .LBB2_9-.Ltmp2, $1  }
0x1c: {  	_ =	sdelay $0x3  }
0x1d: {  	s12 =	simm.s32 $0x1  }
0x1e: {  	_ =	swait.ge [sflag:s5], $0x20;
	s13 =	sand.u32 $0x1, s9;
	s12 =	simm.s32 @!p0 $0x0  }
0x1f: {  	s15 =	simm.s32 $0x0;
	p2 =	por $0x1, $0x1;
	s12 =	sshll.u32 s12, $0x11  }
0x20: {  	[sflag:s5] =	ssyncset.done $0x0;
	s13 =	sshll.u32 s13, $0x5;
	s14 =	sshrl.u32 s12, $0x2  }
0x21: {  	[sflag:s5] =	ssyncadd.s32 $0xFFFFFFE0;
	s12 =	sor.u32 $0x40, s14;
	s14 =	sadd.s32 $0x40, s14  }
.LBB2_3:
0x22: {  	s16 =	sshll.u32 s15, $0x4  }
0x23: {  	s16 =	sand.u32 $0x3FFFFFF0, s16  }
0x24: {  	s16 =	sadd.s32 s16, s13  }
0x25: {  	v0 =	vld.msk [tilespmem:s16+$0x0 ss:$0x1], $0xffff;
	_ =	sdelay $0x4  }
0x26: {  	vm2 =	vgt.s32 v0, $0x0  }
0x27: {  	v0 =	vnsel vm2, $0x0, v0  }
0x28: {  	v0 =	vmin.u32 v0, $0xFFF  }
0x29: {  	v1 =	vshll.u32 v0, $0x7;
	v0 =	vshll.u32 v0, $0x4  }
0x2a: {  	v1 =	vand.u32 $0x7FC00, v1;
	v0 =	vand.u32 $0x70, v0  }
0x2b: {  	v0 =	vor.u32 v0, v1  }
0x2c: {  	s31 =	sshll.u32 s15, $0x10  }
0x2d: {  	s15 =	sshra.s32 s31, $0x2  }
0x2e: {  	s15 =	sadd.s32 s15, s14  }
0x2f: {  	s17 =	sadd.s32 $0x0, s15  }
0x30: {  	[tilespmem:s17], [sflag:$0x1] =	stream.indirect_vreg.gather [hbm:s2], $0x80, v0, vm0, $0x38;
	[tilespmem:$0x10040] =	vst v63  }
0x31: {  	p1 =	por p2, p2;
	s16 =	simm.s32 $0x1000;
	v1 =	vadd.s32 $0x80, v0;
	s17 =	sadd.s32 $0x2000, s17  }
.LBB2_4:
0x32: {  	[tilespmem:s17], [sflag:$0x1] =	stream.indirect_vreg.gather [hbm:s2], $0x80, v0, vm1, $0x38;
	[tilespmem:$0x10040] =	vst v63  }
0x33: {  	v0 =	vmov v1;
	s17 =	smov.u32 s16;
	p2 =	sne.s32 s16, $0x7000  }
.Ltmp3:
0x34: {  	s16 =	sadd.s32 $0x1000, s16;
	(pc) =	sbr.rel @p2 .LBB2_4-.Ltmp3, $4  }
0x35: {  	s17 =	sshra.s32 s17, $0x2  }
0x36: {  	s17 =	sadd.s32 s17, s15  }
0x37: {  	[tilespmem:s17], [sflag:$0x1] =	stream.indirect_vreg.gather [hbm:s2], $0x80, v1, vm0, $0x38;
	[tilespmem:$0x10040] =	vst v63  }
0x38: {  	s17 =	sadd.s32 $0x2000, s17;
	v1 =	vadd.s32 $0x80, v1  }
0x39: {  	_ = 	snop  }
.Ltmp4:
0x3a: {  	_ = 	snop;
	(pc) =	sbr.rel @p1 .LBB2_3-.Ltmp4, $3  }
0x3b: {  	_ =	sdelay $0x1  }
0x3c: {  	[tilespmem:s17], [sflag:$0x1] =	stream.indirect_vreg.gather [hbm:s2], $0x80, v0, vm1, $0x38;
	[tilespmem:$0x10040] =	vst v63  }
0x3d: {  	s15 =	simm.s32 $0x1;
	p2 =	por $0x0, $0x0  }
0x3e: {  	s13 =	sshll.u32 s11, $0x7  }
0x3f: {  	s31 =	sshll.u32 s11, $0x4;
	s13 =	sand.u32 $0xFFFFFC00, s13  }
0x40: {  	_ =	swait.ge [sflag:s4], $0x8000;
	s11 =	sand.u32 $0x70, s31;
	s13 =	sadd.s32 s13, s7  }
0x41: {  	s14 =	sadd.s32 $0x2000, s12;
	[sflag:s4] =	ssyncset.done $0x0;
	s11 =	sadd.s32 s11, s13  }
0x42: {  	[sflag:s4] =	ssyncadd.s32 $0xFFFF8000;
	s13 =	simm.s32 $0x400;
	s15 =	sadd.s32 $0x0, s11  }
.LBB2_7:
0x43: {  	[hbm:s15] =	stream.linear.scatter [tilespmem:s12], [sflag:$0x3], $0x2000, $0x38;
	[tilespmem:$0x10040] =	vst v63  }
0x44: {  	s15 =	smov.u32 s13;
	s12 =	smov.u32 s14;
	p1 =	sne.s32 s13, $0xC00  }
.Ltmp5:
0x45: {  	s13 =	sadd.s32 $0x400, s13;
	(pc) =	sbr.rel @p1 .LBB2_7-.Ltmp5, $2  }
0x46: {  	_ =	sdelay $0x2  }
0x47: {  	s14 =	sadd.s32 $0x2000, s14;
	s15 =	sadd.s32 s15, s11  }
.Ltmp6:
0x48: {  	(pc) =	sbr.rel .LBB2_9-.Ltmp6, $2  }
0x49: {  	_ =	sdelay $0x2  }
0x4a: {  	[hbm:s15] =	stream.linear.scatter [tilespmem:s12], [sflag:$0x3], $0x2000, $0x38;
	[tilespmem:$0x10040] =	vst v63  }
.LBB2_10:
0x4b: {  	_ =	sfence.sel $0x180000  }
0x4c: {  	s2 =	simm.s32 $0x2;
	[bflag:$0x0] =	sbarrier.arrive $0xFFFF  }
0x4d: {  	s30 =	simm.s32 $0x3;
	[sflag:s2] =	ssyncpa.u1 $0x1  }
0x4e: {  	s31 =	simm.s32 $0x1;
	[sflag:s30] =	ssyncpa.u1 $0x1  }
0x4f: {  	[sflag:s31] =	ssyncpa.u1 $0x1  }
0x50: {  	p0 =	sne.s32 s1, $0x0;
	_ =	strace $0x9000004A  }
0x51: {  	s0 =	sadd.s32 @!p0 $0x100000, s0;
	[bflag:$0x2] =	sbarrier.arrive $0xFFFF  }
0x52: {  	[sflag:s0] =	ssyncadd.tile.s32 @!p0 $0x1;
	_ =	shalt  }
.Lfunc_end2:
_tile_overlayer_lowered:
.L_overlay_start_2:
0x53: {  	(tag) =	ssettag $0x2  }
0x54: {  	s0 =	rddreg [dreg:$0x0];
	s2 =	stileid.u32  }
0x55: {  	s1 =	rddreg [dreg:$0x1];
	p0 =	sne.s32 s2, $0x0  }
0x56: {  	s3 =	rddreg [dreg:$0x2];
	[bflag:$0x3] =	sbarrier.arrive $0xFFFF;
	s2 =	simm.s32 @!p0 $0x1C01  }
0x57: {  	[timem:s3], [sflag:s2] =	dma.local @!p0 [hbm:s0], s1  }
0x58: {  	s0 =	simm.s32 @!p0 $0x1  }
0x59: {  	_ =	swait.ge @!p0 [sflag:s0], s1  }
0x5a: {  	s1 =	ssub.s32 @!p0 $0x0, s1;
	[sflag:s0] =	ssyncset.done @!p0 $0x0  }
0x5b: {  	[sflag:s0] =	ssyncadd.s32 @!p0 s1  }
0x5c: {  	[bflag:$0x3] =	sbarrier.arrive $0xFFFF  }
0x5d: {  	_ =	shalt  }

// kernel: gather_offload_async_start
scs
__scs_entry_jumppad:
0x0: {  	(pc) =	sbr.rel $0x88, $3  }
0x1: {  	(tag) =	ssettag $0x0;
	lr =	simm.s32 $0x1  }
0x2: {  	[smem:$0x3F9F] =	sst lr;
	_ =	strace $0xD0000000  }
0x3: {  	_ = 	snop  }
0x4: {  	_ = 	snop  }
0x5: {  	_ = 	snop  }
0x6: {  	_ = 	snop  }
0x7: {  	_ = 	snop  }
__scs_overlays_trampoline_lowered:
0x8: {  	[smem:$0x3FAE] =	sst s0  }
0x9: {  	[smem:$0x3FAF] =	sst s1  }
0xa: {  	[smem:$0x3FB0] =	sst s2  }
0xb: {  	[smem:$0x3FB1] =	sst s3  }
0xc: {  	[smem:$0x3FB2] =	sst s4  }
0xd: {  	[smem:$0x3FB3] =	sst s5  }
0xe: {  	[smem:$0x3FB4] =	sst s6  }
0xf: {  	[smem:$0x3FB5] =	sst s7  }
0x10: {  	[smem:$0x3FB6] =	sst s8  }
0x11: {  	[smem:$0x3FB7] =	sst s9;
	s0 =	simm.s32 @!p0 $0x0  }
0x12: {  	s1 =	sld [smem:$0x3F9D];
	s0 =	simm.s32 @p0 $0x1  }
0x13: {  	[smem:$0x3FB8] =	sst s0;
	s0 =	simm.s32 @!p1 $0x0  }
0x14: {  	s2 =	sld [smem:$0x3F9C];
	s0 =	simm.s32 @p1 $0x1  }
0x15: {  	[smem:$0x3FB9] =	sst s0;
	s0 =	simm.s32 @!p2 $0x0  }
0x16: {  	s3 =	sld [smem:$0x3FDB];
	s0 =	simm.s32 @p2 $0x1  }
0x17: {  	s4 =	simm.s32 $0x1BF5;
	[smem:$0x3FBB] =	sst s0  }
0x18: {  	s0 =	sld [smem:$0x3F9E];
	_ =	swait.ge [sflag:s4], $0x0  }
0x19: {  	s7 =	sld [smem:$0x3F9F]  }
0x1a: {  	s8 =	sadd.s32 $0xFFFFE003, lr  }
0x1b: {  	s9 =	sadd.s32 $0xFFFFFEF7, lr;
	s5 =	simm.s32 $0xFFFFFFFF;
	p2 =	slt.u32 s8, $0xFFFFF086  }
0x1c: {  	p1 =	slt.u32 s9, $0xF7A;
	s5 =	simm.s32 @!p2 $0x0  }
0x1d: {  	s5 =	simm.s32 @p1 $0x1;
	p0 =	seq.s32 s7, s2  }
0x1e: {  	s7 =	smul.u32 @!p0 $0xF7A, s2;
	p2 =	seq.s32 @!p0 s5, $0x0  }
0x1f: {  	s9 =	smul.u32 $0xF7A, s1;
	s8 =	simm.s32 @!p0 $0x1BF5;
	p2 =	por !p2, p0  }
0x20: {  	[sflag:s8] =	ssyncset.s32 @!p0 $0xFFFFF086;
	s6 =	sadd.s32 @!p0 s3, s7;
	s7 =	simm.s32 @!p0 $0x108  }
0x21: {  	s3 =	sadd.s32 s3, s9;
	s6 =	sadd.s32 @!p0 $0x88, s6;
	s7 =	simm.s32 @p2 $0x1082  }
0x22: {  	[simem:s7], [sflag:s8] =	dma.local @!p0 [hbm:s6], $0xF7A  }
0x23: {  	s9 =	sor.u32 $0xD0000000, s2;
	s6 =	simm.s32 $0x108;
	_ =	swait.ge @!p0 [sflag:s8], $0x0  }
0x24: {  	s3 =	sadd.s32 $0x88, s3;
	s6 =	simm.s32 @!p1 $0x1082;
	[sflag:s4] =	ssyncset.s32 $0xFFFFF086  }
0x25: {  	[simem:s6], [sflag:s4] =	dma.local [hbm:s3], $0xF7A  }
0x26: {  	[smem:$0x3F9F] =	sst s1;
	(tag) =	ssettag s2;
	_ =	strace s9  }
0x27: {  	s1 =	sld [smem:$0x3FAF]  }
0x28: {  	s2 =	sld [smem:$0x3FB0]  }
0x29: {  	s4 =	sld [smem:$0x3FB2]  }
0x2a: {  	p0 =	seq.s32 s5, $0x0;
	s5 =	sld [smem:$0x3FB3]  }
0x2b: {  	s6 =	sld [smem:$0x3FB4]  }
0x2c: {  	s7 =	sld [smem:$0x3FB5]  }
0x2d: {  	s3 =	simm.s32 $0x108;
	s8 =	sld [smem:$0x3FB6]  }
0x2e: {  	s3 =	simm.s32 @!p0 $0x1082;
	s9 =	sld [smem:$0x3FB7]  }
0x2f: {  	lr =	sadd.s32 s0, s3;
	s0 =	sld [smem:$0x3FAE]  }
0x30: {  	s3 =	sld [smem:$0x3FB1]  }
0x31: {  	[smem:$0x3FBA] =	sst s10  }
0x32: {  	s10 =	sld [smem:$0x3FB8];
	_ =	sdelay $0x3  }
0x33: {  	p0 =	seq.s32 s10, $0x1;
	s10 =	sld [smem:$0x3FBA];
	_ =	sdelay $0x3  }
0x34: {  	[smem:$0x3FBA] =	sst s10  }
0x35: {  	s10 =	sld [smem:$0x3FB9];
	_ =	sdelay $0x3  }
0x36: {  	p1 =	seq.s32 s10, $0x1;
	s10 =	sld [smem:$0x3FBA];
	_ =	sdelay $0x3  }
0x37: {  	[smem:$0x3FBA] =	sst s10  }
0x38: {  	s10 =	sld [smem:$0x3FBB]  }
0x39: {  	_ = 	snop;
	(pc) =	sbr.ind lr, $3  }
0x3a: {  	_ = 	snop  }
0x3b: {  	_ = 	snop  }
0x3c: {  	p2 =	seq.s32 s10, $0x1;
	s10 =	sld [smem:$0x3FBA]  }
0x3d: {  	_ =	shalt  }
0x3e: {  	_ =	shalt  }
0x3f: {  	_ =	shalt  }
0x40: {  	_ =	shalt  }
0x41: {  	_ =	shalt  }
0x42: {  	_ =	shalt  }
0x43: {  	_ =	shalt  }
0x44: {  	_ =	shalt  }
0x45: {  	_ =	shalt  }
0x46: {  	_ =	shalt  }
0x47: {  	_ =	shalt  }
0x48: {  	_ =	shalt  }
0x49: {  	_ =	shalt  }
0x4a: {  	_ =	shalt  }
0x4b: {  	_ =	shalt  }
0x4c: {  	_ =	shalt  }
0x4d: {  	_ =	shalt  }
0x4e: {  	_ =	shalt  }
0x4f: {  	_ =	shalt  }
0x50: {  	_ =	shalt  }
0x51: {  	_ =	shalt  }
0x52: {  	_ =	shalt  }
0x53: {  	_ =	shalt  }
0x54: {  	_ =	shalt  }
0x55: {  	_ =	shalt  }
0x56: {  	_ =	shalt  }
0x57: {  	_ =	shalt  }
0x58: {  	_ =	shalt  }
0x59: {  	_ =	shalt  }
0x5a: {  	_ =	shalt  }
0x5b: {  	_ =	shalt  }
0x5c: {  	_ =	shalt  }
0x5d: {  	_ =	shalt  }
0x5e: {  	_ =	shalt  }
0x5f: {  	_ =	shalt  }
0x60: {  	_ =	shalt  }
0x61: {  	_ =	shalt  }
0x62: {  	_ =	shalt  }
0x63: {  	_ =	shalt  }
0x64: {  	_ =	shalt  }
0x65: {  	_ =	shalt  }
0x66: {  	_ =	shalt  }
0x67: {  	_ =	shalt  }
0x68: {  	_ =	shalt  }
0x69: {  	_ =	shalt  }
0x6a: {  	_ =	shalt  }
0x6b: {  	_ =	shalt  }
0x6c: {  	_ =	shalt  }
0x6d: {  	_ =	shalt  }
0x6e: {  	_ =	shalt  }
0x6f: {  	_ =	shalt  }
0x70: {  	_ =	shalt  }
0x71: {  	_ =	shalt  }
0x72: {  	_ =	shalt  }
0x73: {  	_ =	shalt  }
0x74: {  	_ =	shalt  }
0x75: {  	_ =	shalt  }
0x76: {  	_ =	shalt  }
0x77: {  	_ =	shalt  }
0x78: {  	_ =	shalt  }
0x79: {  	_ =	shalt  }
0x7a: {  	_ =	shalt  }
0x7b: {  	_ =	shalt  }
0x7c: {  	_ =	shalt  }
0x7d: {  	_ =	shalt  }
0x7e: {  	_ =	shalt  }
0x7f: {  	_ =	shalt  }
0x80: {  	_ =	shalt  }
0x81: {  	_ =	shalt  }
0x82: {  	_ =	shalt  }
0x83: {  	_ =	shalt  }
0x84: {  	_ =	shalt  }
0x85: {  	_ =	shalt  }
0x86: {  	_ =	shalt  }
0x87: {  	_ =	shalt  }
.Lfunc_end0:
.L_simem_size_0:
called_computation_lowered:
.L_overlay_start_0:
0x88: {  	s2 =	sld [smem:$0x3FD9]  }
0x89: {  	s3 =	sld [smem:$0x3FFE];
	_ =	sdelay $0x1  }
0x8a: {  	s1 =	srdreg.scid  }
0x8b: {  	s0 =	sand.u32 $0x1, s1  }
0x8c: {  	s17 =	sshll.u32 s0, $0xA;
	s2 =	sadd.s32 s3, s2  }
0x8d: {  	s2 =	sadd.s32 s2, s17  }
0x8e: {  	[smem:$0x3FC6] =	sst s2  }
0x8f: {  	_ = 	snop  }
0x90: {  	s2 =	sld [smem:$0x3FC9];
	(tm) =	ssettm $0x1  }
0x91: {  	s18 =	sld [smem:$0x3FFB];
	_ =	sdelay $0x3  }
0x92: {  	_ =	strace s18  }
0x93: {  	s3 =	sld [smem:$0x3FFC];
	_ =	sdelay $0x3  }
0x94: {  	_ =	strace s3  }
0x95: {  	s3 =	sld [smem:$0x3FFD];
	_ =	sdelay $0x3  }
0x96: {  	_ =	strace s3  }
0x97: {  	_ =	strace $0x8FFFFFFF  }
0x98: {  	s19 =	sld [smem:$0x3FDB];
	_ =	sdelay $0x1  }
0x99: {  	s4 =	simm.s32 $_scs_section_size  }
0x9a: {  	s5 =	simm.s32 $_size__tile_overlayer_lowered;
	s6 =	simm.s32 $_tile_overlayer_lowered  }
0x9b: {  	s22 =	simm.s32 $0x1BFF;
	s21 =	sshll.u32 s6, $0x1;
	s3 =	sadd.s32 s4, s19  }
0x9c: {  	s7 =	simm.s32 $0x0;
	s20 =	sshll.u32 s5, $0x1;
	s5 =	sadd.s32 s21, s3  }
0x9d: {  	[timem:s7], [sflag:s22] =	dma.local [hbm:s5], s20  }
0x9e: {  	_ =	swait.ge [sflag:s22], s20  }
0x9f: {  	s4 =	ssub.s32 $0x0, s20;
	[sflag:s22] =	ssyncset.done $0x0  }
0xa0: {  	[sflag:s22] =	ssyncadd.s32 s4;
	_ =	sdelay $0x1  }
0xa1: {  	s23 =	simm.s32 $0x1B8B  }
0xa2: {  	_ =	swait.ge [sflag:s23], $0x1  }
0xa3: {  	[sflag:s23] =	ssyncset.done $0x0  }
0xa4: {  	s25 =	simm.s32 $0x1B8E;
	s24 =	sld [smem:$0x3FFE];
	[sflag:s23] =	ssyncadd.s32 $0xFFFFFFFF  }
0xa5: {  	s26 =	simm.s32 $execute0_lowered;
	[smem:$0x3FD2] =	sst s25  }
0xa6: {  	s5 =	sshll.u32 s26, $0x1;
	_ =	strace $0x80000046;
	[dreg:$0x1] =	wrdreg $0xFFFFFFFF  }
0xa7: {  	s28 =	simm.s32 $_size_execute0_lowered;
	s3 =	sadd.s32 s3, s5;
	[dreg:$0x0] =	wrdreg $0x0  }
0xa8: {  	s5 =	sshll.u32 s28, $0x1;
	[dreg:$0x2] =	wrdreg s3  }
0xa9: {  	[dreg:$0x3] =	wrdreg s5  }
0xaa: {  	[dreg:$0x4] =	wrdreg $0xC0  }
0xab: {  	_ =	task [dreg:s7], $0x5FFFF  }
0xac: {  	[dreg:$0x1] =	wrdreg $0xFFFFFFFF  }
0xad: {  	[dreg:$0x0] =	wrdreg $0x60  }
0xae: {  	[dreg:$0x2] =	wrdreg s2  }
0xaf: {  	[dreg:$0x3] =	wrdreg s24  }
0xb0: {  	[dreg:$0x4] =	wrdreg $0x9  }
0xb1: {  	_ =	task.clear_ibuf [dreg:s7], $0x5FFFF;
	_ =	strace $0x90000046  }
0xb2: {  	s29 =	simm.s32 $0x9;
	_ =	strace $0x80000048  }
0xb3: {  	_ =	swait.ge [sflag:s29], $0x1  }
0xb4: {  	[sflag:s29] =	ssyncadd.s32 $0xFFFFFFFF  }
0xb5: {  	_ =	strace $0x90000048  }
0xb6: {  	_ =	sfence  }
0xb7: {  	s30 =	sld [smem:$0x0];
	_ =	sdelay $0x2  }
0xb8: {  	s31 =	sshll.u32 s1, $0xD;
	s1 =	sshrl.u32 s1, $0x2  }
0xb9: {  	s3 =	sand.u32 $0x4000, s31;
	s1 =	sadd.s32 s1, s30  }
0xba: {  	s0 =	sor.u32 s3, s0;
	s1 =	sshll.u32 s1, $0x11  }
0xbb: {  	s0 =	sor.u32 s1, s0  }
0xbc: {  	s0 =	sadd.s32 $0x8F2B, s0  }
0xbd: {  	[sflag:s0] =	ssyncadd.remote.s32 $0x1  }
0xbe: {  	_ =	sfence.sel $0xFFFF  }
0xbf: {  	[dreg:$0x0] =	wrdreg $0xFFFFFFFF;
	(pc) =	sbr.abs _section_cstart, $3  }
0xc0: {  	[dreg:$0x1] =	wrdreg $0xFFFFFFFF  }
0xc1: {  	_ =	task.clear_ibuf [dreg:s7], $0x2FFFF;
	_ =	strace $0x9FFFFFFF  }
0xc2: {  	(tm) =	ssettm $0x7FFFFFFF  }
0xc3: {  	_ =	shalt  }
tec
execute0_lowered:
.L_overlay_start_1:
0x0: {  	(tag) =	ssettag $0x1  }
0x1: {  	s1 =	srdreg.scid;
	s2 =	rddreg [dreg:$0x0]  }
0x2: {  	s0 =	stileid.u32;
	s5 =	rddreg [dreg:$0x1];
	s6 =	simm.s32 $0x1  }
0x3: {  	s9 =	simm.s32 $0x1;
	s10 =	simm.s32 $0x3;
	s1 =	sshll.u32 s1, $0x6  }
0x4: {  	s13 =	simm.s32 $0x0;
	s3 =	sshll.u32 s0, $0x7;
	s4 =	sand.u32 $0x40, s1  }
0x5: {  	s12 =	simm.s32 $0x0;
	s1 =	rddreg [dreg:$0x2];
	s3 =	sor.u32 s3, s4  }
0x6: {  	_ =	strace $0x80000047;
	s4 =	sadd.s32 $0xC00, s5;
	s8 =	ssub.s32 $0x1000, s3  }
.Ltmp0:
0x7: {  	s5 =	sadd.s32 $0xE00, s5;
	s7 =	sand.u32 $0x7C0, s8;
	(pc) =	sbr.rel .LBB2_1-.Ltmp0, $4  }
0x8: {  	[sflag:s6] =	ssyncpa.u1 $0x0;
	s11 =	smov.u32 s3;
	p0 =	sne.s32 s7, $0x0  }
0x9: {  	s8 =	sshrl.u32 s8, $0xB;
	s7 =	simm.s32 $0x2;
	s9 =	simm.s32 @!p0 $0x0  }
0xa: {  	[sflag:s7] =	ssyncpa.u1 $0x0;
	p0 =	por $0x0, $0x0;
	s8 =	sadd.s32 s9, s8  }
0xb: {  	vm0 =	vmmov $0xffff;
	[sflag:s10] =	ssyncpa.u1 $0x0;
	s10 =	simm.s32 $0x0;
	s9 =	sadd.s32 $0x1, s8  }
.LBB2_4:
0xc: {  	v2 =	vnsel vm1, $0x0, v2  }
0xd: {  	vm1 =	vgt.s32 v0, $0x0;
	v2 =	vmin.u32 v2, $0xFFF  }
0xe: {  	v0 =	vnsel vm1, $0x0, v0  }
0xf: {  	v0 =	vmin.u32 v0, $0xFFF  }
0x10: {  	[tilespmem:s15], [sflag:$0x1] =	stream.indirect_vreg.gather [hbm4b:s2+s10], $0x1, v1, vm0, $0x4038;
	[tilespmem:$0x100] =	vst v63  }
0x11: {  	(ifvalue) =	ssetifvalue $0x7FFFFFFF  }
0x12: {  	[tilespmem:s16], [sflag:$0x1] =	stream.indirect_vreg.gather [hbm4b:s2+s10], $0x1, v2, vm0, $0x4038;
	[tilespmem:$0x100] =	vst v63  }
0x13: {  	s29 =	sadd.s32 $0x10, s16;
	(ifvalue) =	ssetifvalue $0x7FFFFFFF  }
0x14: {  	[tilespmem:s29], [sflag:$0x1] =	stream.indirect_vreg.gather [hbm4b:s2+s10], $0x1, v0, vm0, $0x4038;
	[tilespmem:$0x100] =	vst v63  }
0x15: {  	_ =	swait.ge [sflag:s6], $0x40  }
0x16: {  	s30 =	sshrl.u32 s13, $0x3;
	[sflag:s6] =	ssyncset.done $0x0  }
0x17: {  	s31 =	sand.u32 $0x7, s13;
	s15 =	sadd.s32 s5, s30;
	[sflag:s6] =	ssyncadd.s32 $0xFFFFFFC0  }
0x18: {  	[hbm4b:s15+s31] =	stream.linear.scatter [tilespmem:s14], [sflag:$0x3], $0x40, $0x38;
	[tilespmem:$0x100] =	vst v63  }
.LBB2_5:
0x19: {  	s15 =	sadd.s32 $0x800, s11  }
0x1a: {  	p2 =	sgt.s32 s15, $0xFFF  }
0x1b: {  	s15 =	smov.u32 @p2 s3;
	p2 =	sne.s32 s12, s9  }
.Ltmp1:
0x1c: {  	p1 =	slt.u32 s12, $0x2;
	(pc) =	sbr.rel @!p2 .LBB2_6-.Ltmp1, $4  }
0x1d: {  	s14 =	simm.s32 @!p1 $0x3  }
0x1e: {  	s16 =	sadd.s32 $0x1, s12;
	_ =	swait.ge @!p1 [sflag:s14], $0x40  }
0x1f: {  	s13 =	smov.u32 s11;
	p0 =	por !p0, !p0;
	[sflag:s14] =	ssyncset.done @!p1 $0x0  }
0x20: {  	s12 =	smov.u32 s16;
	s11 =	smov.u32 s15;
	[sflag:s14] =	ssyncadd.s32 @!p1 $0xFFFFFFC0  }
.LBB2_1:
0x21: {  	p1 =	sge.u32 s12, s8  }
0x22: {  	s14 =	sxor.u32 @!p1 $0xFFFFFFFF, s12  }
0x23: {  	s31 =	sadd.s32 $0xFFFFFFFF, s12;
	s15 =	sshrl.u32 @!p1 s11, $0x3;
	s14 =	sshll.u32 @!p1 s14, $0x6  }
0x24: {  	s16 =	sand.u32 @!p1 $0x7, s11;
	s15 =	sadd.s32 @!p1 s4, s15;
	s14 =	sand.u32 @!p1 $0x40, s14  }
0x25: {  	[tilespmem:s14], [sflag:$0x2] =	stream.linear.gather @!p1 [hbm4b:s15+s16], $0x40, $0x38;
	[tilespmem:$0x100] =	vst v63  }
0x26: {  	p1 =	sge.u32 s31, s8  }
.Ltmp2:
0x27: {  	_ = 	snop;
	(pc) =	sbr.rel @p1 .LBB2_5-.Ltmp2, $1  }
0x28: {  	_ =	sdelay $0x3  }
0x29: {  	s14 =	simm.s32 $0x1  }
0x2a: {  	_ =	swait.ge [sflag:s7], $0x40;
	s14 =	simm.s32 @!p0 $0x0  }
0x2b: {  	[sflag:s7] =	ssyncset.done $0x0;
	s14 =	sshll.u32 s14, $0x6  }
0x2c: {  	[sflag:s7] =	ssyncadd.s32 $0xFFFFFFC0;
	(ifvalue) =	ssetifvalue $0x7FFFFFFF;
	v0 =	vld.msk [tilespmem:s14+$0x0 ss:$0x1], $0xffff;
	_ =	sdelay $0x4  }
0x2d: {  	s15 =	sadd.s32 $0x10, s14;
	vm1 =	vgt.s32 v0, $0x0  }
0x2e: {  	v2 =	vld.msk [tilespmem:s15+$0x0 ss:$0x1], $0xffff;
	v1 =	vnsel vm1, $0x0, v0  }
0x2f: {  	v1 =	vmin.u32 v1, $0xFFF;
	_ =	sdelay $0x1  }
0x30: {  	s16 =	sshll.u32 s12, $0x6;
	s18 =	simm.s32 $0x20  }
0x31: {  	s16 =	sand.u32 $0x40, s16;
	s17 =	sadd.s32 $0x10, s15;
	s15 =	sor.u32 $0x80, s14  }
0x32: {  	s14 =	sor.u32 $0x80, s16;
	s16 =	sadd.s32 $0x10, s15;
	v0 =	vld.msk [tilespmem:s17+$0x0 ss:$0x1], $0xffff;
	vm1 =	vgt.s32 v2, $0x0;
	(ifvalue) =	ssetifvalue $0x7FFFFFFF  }
.LBB2_3:
0x33: {  	[tilespmem:s15], [sflag:$0x1] =	stream.indirect_vreg.gather [hbm4b:s2+s10], $0x1, v1, vm0, $0x4038;
	[tilespmem:$0x100] =	vst v63  }
0x34: {  	s18 =	sadd.s32 $0x10, s18  }
0x35: {  	v2 =	vnsel vm1, $0x0, v2;
	p1 =	slt.u32 s18, $0x30  }
.Ltmp3:
0x36: {  	s15 =	smov.u32 s16;
	v1 =	vmin.u32 v2, $0xFFF;
	(pc) =	sbr.rel @p1 .LBB2_3-.Ltmp3, $3  }
0x37: {  	_ =	sdelay $0x1  }
0x38: {  	s17 =	sadd.s32 $0x10, s17  }
0x39: {  	vm1 =	vgt.s32 v0, $0x0;
	s16 =	sadd.s32 $0x10, s16;
	v2 =	vmov v0;
	(ifvalue) =	ssetifvalue $0x7FFFFFFF;
	v0 =	vld.msk [tilespmem:s17+$0x0 ss:$0x1], $0xffff  }
.Ltmp4:
0x3a: {  	_ = 	snop;
	(pc) =	sbr.rel .LBB2_4-.Ltmp4, $1  }
0x3b: {  	_ =	sdelay $0x3  }
.LBB2_6:
0x3c: {  	_ =	sfence.sel $0x180000  }
0x3d: {  	s2 =	simm.s32 $0x2;
	[bflag:$0x0] =	sbarrier.arrive $0xFFFF  }
0x3e: {  	s30 =	simm.s32 $0x3;
	[sflag:s2] =	ssyncpa.u1 $0x1  }
0x3f: {  	s31 =	simm.s32 $0x1;
	[sflag:s30] =	ssyncpa.u1 $0x1  }
0x40: {  	[sflag:s31] =	ssyncpa.u1 $0x1  }
0x41: {  	p0 =	sne.s32 s0, $0x0;
	_ =	strace $0x90000047  }
0x42: {  	s0 =	sadd.s32 @!p0 $0x100000, s1;
	[bflag:$0x2] =	sbarrier.arrive $0xFFFF  }
0x43: {  	[sflag:s0] =	ssyncadd.tile.s32 @!p0 $0x1;
	_ =	shalt  }
.Lfunc_end2:
_tile_overlayer_lowered:
.L_overlay_start_2:
0x44: {  	(tag) =	ssettag $0x2  }
0x45: {  	s0 =	rddreg [dreg:$0x0];
	s2 =	stileid.u32  }
0x46: {  	s1 =	rddreg [dreg:$0x1];
	p0 =	sne.s32 s2, $0x0  }
0x47: {  	s3 =	rddreg [dreg:$0x2];
	[bflag:$0x3] =	sbarrier.arrive $0xFFFF;
	s2 =	simm.s32 @!p0 $0x1C01  }
0x48: {  	[timem:s3], [sflag:s2] =	dma.local @!p0 [hbm:s0], s1  }
0x49: {  	s0 =	simm.s32 @!p0 $0x1  }
0x4a: {  	_ =	swait.ge @!p0 [sflag:s0], s1  }
0x4b: {  	s1 =	ssub.s32 @!p0 $0x0, s1;
	[sflag:s0] =	ssyncset.done @!p0 $0x0  }
0x4c: {  	[sflag:s0] =	ssyncadd.s32 @!p0 s1  }
0x4d: {  	[bflag:$0x3] =	sbarrier.arrive $0xFFFF  }
0x4e: {  	_ =	shalt  }

</sc_bundles>
